<compile_context>
chip_gen: v7x
topology: tpu7x:2x2x1
jax: 0.10.2.dev20260603
libtpu: 0.0.44.dev20260713+nightly
codegen_flags: <defaults>
</compile_context>

<pallas_src>
import functools
import jax
from jax import lax
import jax.numpy as jnp
from jax.experimental import pallas as pl
from jax.experimental.pallas import tpu as pltpu
from jax.experimental.pallas import tpu_sc as plsc

B, N, IN_DIM, DEP = 8, 64, 128, 8
K = N * DEP
ROWS = B * N
NC, NS, L = 2, 16, 16
NW = NC * NS
RPW = ROWS // NW
WPB = N // RPW
NCH = N // L

_mesh = plsc.VectorSubcoreMesh(core_axis_name="c", subcore_axis_name="s")


def _sc_body(adj_hbm, w_hbm, asp_hbm, s_hbm, adjv, sv, wv, av):
    wid = lax.axis_index("s") * NC + lax.axis_index("c")
    b = wid // WPB
    a0 = (wid % WPB) * RPW
    pltpu.sync_copy(adj_hbm.at[b, pl.ds(a0, RPW)], adjv)
    pltpu.sync_copy(w_hbm.at[0, pl.ds(IN_DIM, L)], wv)
    pltpu.sync_copy(asp_hbm.at[b, pl.ds(a0, RPW)], av)
    lanes = lax.iota(jnp.int32, L)
    lanesf = lanes.astype(jnp.float32)
    w2vec = wv[...]
    zeros = jnp.zeros((L,), jnp.float32)
    onehot = [(lanesf == float(d)).astype(jnp.float32) for d in range(DEP)]

    def row_body(row, carry):
        rowvec = jnp.broadcast_to(row, (L,))
        aspf = (plsc.load_gather(av, [rowvec]) != 0).astype(jnp.float32)
        cacc = [zeros for _ in range(NCH)]
        vacc = [zeros for _ in range(NCH)]
        radd = zeros
        for d in range(DEP):
            w2d = w2vec[d]
            rdi = jnp.zeros((L,), jnp.int32)
            for ch in range(NCH):
                g = adjv[row, d, pl.ds(L * ch, L)]
                m = jnp.abs(g) > 0.0
                cacc[ch] = cacc[ch] + jnp.where(m, 1.0, 0.0)
                vacc[ch] = vacc[ch] + g * w2d
                rdi = rdi + plsc.all_reduce_population_count(m)
            radd = radd + rdi.astype(jnp.float32) * onehot[d]
        cacc[0] = cacc[0] + radd
        for ch in range(NCH):
            sv[row, pl.ds(ch * L, L)] = (cacc[ch] * aspf) * jnp.exp(vacc[ch])
        for ch in range(NCH, IN_DIM // L):
            sv[row, pl.ds(ch * L, L)] = zeros
        return carry

    lax.fori_loop(0, RPW, row_body, 0)
    pltpu.sync_copy(sv, s_hbm.at[b, pl.ds(a0, RPW)])


_sc_weights = functools.partial(
    pl.kernel,
    out_type=jax.ShapeDtypeStruct((B, N, IN_DIM), jnp.float32),
    mesh=_mesh,
    compiler_params=pltpu.CompilerParams(
        needs_layout_passes=False, skip_device_barrier=True),
    scratch_types=[
        pltpu.VMEM((RPW, DEP, N), jnp.float32),
        pltpu.VMEM((RPW, IN_DIM), jnp.float32),
        pltpu.VMEM((L,), jnp.float32),
        pltpu.VMEM((RPW,), jnp.int32),
    ],
)(_sc_body)

_CONTRACT_LAST = (((1,), (1,)), ((), ()))


def _tc_body(f_ref, s_ref, w_ref, out_ref):
    w1row = w_ref[:, :IN_DIM]
    hi = jax.lax.Precision.HIGHEST
    f2 = f_ref[...].reshape(B * N, IN_DIM)
    eu = jnp.exp(lax.dot_general(w1row, f2, _CONTRACT_LAST, precision=hi))
    sts = [s_ref[b][:, :N] * eu[:, b * N:(b + 1) * N] for b in range(B)]
    nums = [jnp.dot(sts[b], f_ref[b], precision=hi) for b in range(B)]
    for b in range(B):
        den = jnp.sum(sts[b], axis=1, keepdims=True)
        out_ref[b] = jnp.where(den > 0.0, nums[b] / den, f_ref[b])


def kernel(features, aspect_onehot, adj_matrix, W):
    adj_t = adj_matrix.transpose(0, 1, 3, 2)
    s = _sc_weights(adj_t, W, aspect_onehot.astype(jnp.int32))
    return pl.pallas_call(
        _tc_body,
        in_specs=[
            pl.BlockSpec((B, N, IN_DIM), lambda: (0, 0, 0)),
            pl.BlockSpec((B, N, IN_DIM), lambda: (0, 0, 0)),
            pl.BlockSpec((1, IN_DIM + DEP + IN_DIM), lambda: (0, 0)),
        ],
        out_specs=pl.BlockSpec((B, N, IN_DIM), lambda: (0, 0, 0)),
        out_shape=jax.ShapeDtypeStruct((B, N, IN_DIM), jnp.float32),
    )(features, s, W)

# --- scband reference (transcript-rebuilt; emitter-appended) ---
"""Pipeline reference for scband-node-attention-64493228917344 (READ-ONLY COPY).

The authoritative reference and input builder live on the scoring server;
editing this copy changes nothing except your own understanding.
"""

import jax, jax.numpy as jnp
import numpy as np

B, N, IN_DIM, DEP = 8, 64, 128, 8

def setup_inputs(seed: int = 0):
    key = jax.random.key(seed)
    k1, k2, k3, k4 = jax.random.split(key, 4)
    features = jax.random.normal(k1, (B, N, IN_DIM), dtype=jnp.float32)
    aspect_onehot = jax.random.randint(k2, (B, N), 0, 2)
    adj_matrix = jax.random.uniform(k3, (B, N, N, DEP), dtype=jnp.float32)
    W = jax.random.normal(k4, (1, IN_DIM + DEP + IN_DIM), dtype=jnp.float32) * 0.05
    return {"features": features, "aspect_onehot": aspect_onehot, "adj_matrix": adj_matrix, "W": W}

def reference(features, aspect_onehot, adj_matrix, W):
    # Faithful translation of NodeAttention.forward (eval mode: dropout = identity).
    Bn, Nn, in_dim = features.shape
    dep = adj_matrix.shape[-1]
    # torch: adj_matrix[b, a].nonzero() on a [N, DEP] slice -> [M, 2]; squeeze(1) is a no-op;
    # boolean mask `< num_nodes` then flattens row-major (node-idx and dep-idx interleaved).
    # Statically enumerate every possible (node, dep) pair in argwhere order, interleaved.
    ii = np.repeat(np.arange(Nn), dep)
    jj = np.tile(np.arange(dep), Nn)
    flat_idx_np = np.stack([ii, jj], axis=1).reshape(-1).astype(np.int32)
    keep = jnp.asarray(flat_idx_np < Nn)
    flat_idx = jnp.asarray(flat_idx_np)
    K = flat_idx_np.shape[0]
    aspect_mask = (aspect_onehot != 0)
    outs = []
    for b in range(Bn):
        cf = features[b][flat_idx]                  # connected_features candidates [K, in_dim]
        am_b = adj_matrix[b]                        # [N, N, DEP]
        nzmask = (am_b != 0).reshape(Nn, Nn * dep)  # [N, N*DEP], pair k = i*DEP + j
        mask2 = jnp.repeat(nzmask, 2, axis=1) & keep[None, :]   # [N, K]
        cdf = am_b[:, flat_idx, :]                  # connected_dep_features candidates [N, K, DEP]
        ar = jnp.broadcast_to(features[b][:, None, :], (Nn, K, in_dim))
        cf_b = jnp.broadcast_to(cf[None, :, :], (Nn, K, in_dim))
        concat = jnp.concatenate([cf_b, cdf, ar], axis=2)
        scores = concat @ W[0]                      # Linear(bias=False) then squeeze(1)
        masked_scores = jnp.where(mask2, scores, jnp.array(-jnp.inf, scores.dtype))
        wts = jax.nn.softmax(masked_scores, axis=1) # masked entries get exactly-zero weight
        agg = wts @ cf                              # [N, in_dim]
        any_valid = jnp.any(mask2, axis=1)          # covers both empty-nonzero and empty-valid skips
        upd = aspect_mask[b] & any_valid
        outs.append(jnp.where(upd[:, None], agg, features[b]))
    return jnp.stack(outs, axis=0)

if __name__ == "__main__":
    import jax
    _d = setup_inputs()
    print(jax.jit(kernel)(*tuple(_d.values())))

</pallas_src>

<mosaic_0001>
#map = affine_map<(d0, d1) -> (0, 0, 0, 0)>
#map1 = affine_map<(d0, d1) -> (0, 0)>
#map2 = affine_map<(d0, d1) -> (0, 0, 0)>
module attributes {stable_mosaic.version = 14 : i64} {
  func.func @_sc_body(%arg0: i32, %arg1: i32, %arg2: memref<8x64x8x64xf32, #tpu.memory_space<hbm>>, %arg3: memref<1x264xf32, #tpu.memory_space<hbm>>, %arg4: memref<8x64xi32, #tpu.memory_space<hbm>>, %arg5: memref<8x64x128xf32, #tpu.memory_space<hbm>>, %arg6: memref<16x8x64xf32, #tpu.memory_space<vmem>>, %arg7: memref<16x128xf32, #tpu.memory_space<vmem>>, %arg8: memref<16xf32, #tpu.memory_space<vmem>>, %arg9: memref<16xi32, #tpu.memory_space<vmem>>) attributes {dimension_semantics = [#tpu.dimension_semantics<core_parallel>, #tpu.dimension_semantics<subcore_parallel>], iteration_bounds = array<i64: 2, 16>, scalar_prefetch = 0 : i64, scratch_operands = 4 : i64, tpu.core_type = #tpu.core_type<sc_vector_subcore>, window_params = [{transform_indices = #map}, {transform_indices = #map1}, {transform_indices = #map1}, {transform_indices = #map2}]} {
    %mul3A = arith.constant 2 : i32
    %mul3A_0 = arith.muli %arg1, %mul3A : i32
    %add3A = arith.addi %mul3A_0, %arg0 : i32
    %jit3A = arith.constant 4 : i32
    %div3A = arith.divsi %add3A, %jit3A : i32
    %sign3A = arith.constant 0 : i32
    %sign3A_1 = arith.cmpi sgt, %add3A, %sign3A : i32
    %sign3A_2 = arith.extui %sign3A_1 : i1 to i32
    %sign3A_3 = arith.constant 0 : i32
    %sign3A_4 = arith.cmpi slt, %add3A, %sign3A_3 : i32
    %sign3A_5 = arith.extui %sign3A_4 : i1 to i32
    %sign3A_6 = arith.subi %sign3A_2, %sign3A_5 : i32
    %sign3A_7 = arith.constant 0 : i32
    %sign3A_8 = arith.cmpi sgt, %jit3A, %sign3A_7 : i32
    %sign3A_9 = arith.extui %sign3A_8 : i1 to i32
    %sign3A_10 = arith.constant 0 : i32
    %sign3A_11 = arith.cmpi slt, %jit3A, %sign3A_10 : i32
    %sign3A_12 = arith.extui %sign3A_11 : i1 to i32
    %sign3A_13 = arith.subi %sign3A_9, %sign3A_12 : i32
    %ne3A = arith.cmpi ne, %sign3A_6, %sign3A_13 : i32
    %rem3A = arith.remsi %add3A, %jit3A : i32
    %ne3A_14 = arith.constant 0 : i32
    %ne3A_15 = arith.cmpi ne, %rem3A, %ne3A_14 : i32
    %and3A = arith.andi %ne3A, %ne3A_15 : i1
    %sub3A = arith.constant 1 : i32
    %sub3A_16 = arith.subi %div3A, %sub3A : i32
    %select_n3A = arith.select %and3A, %sub3A_16, %div3A : i32
    %jit3A_17 = arith.constant 4 : i32
    %eq3A = arith.constant 0 : i32
    %eq3A_18 = arith.cmpi eq, %jit3A_17, %eq3A : i32
    %jit3A_19 = arith.constant 1 : i32
    %select_n3A_20 = arith.select %eq3A_18, %jit3A_19, %jit3A_17 : i32
    %rem3A_21 = arith.remsi %add3A, %select_n3A_20 : i32
    %ne3A_22 = arith.constant 0 : i32
    %ne3A_23 = arith.cmpi ne, %rem3A_21, %ne3A_22 : i32
    %lt3A = arith.constant 0 : i32
    %lt3A_24 = arith.cmpi slt, %rem3A_21, %lt3A : i32
    %lt3A_25 = arith.constant 0 : i32
    %lt3A_26 = arith.cmpi slt, %select_n3A_20, %lt3A_25 : i32
    %ne3A_27 = arith.xori %lt3A_24, %lt3A_26 : i1
    %and3A_28 = arith.andi %ne3A_27, %ne3A_23 : i1
    %add3A_29 = arith.addi %rem3A_21, %select_n3A_20 : i32
    %select_n3A_30 = arith.select %and3A_28, %add3A_29, %rem3A_21 : i32
    %mul3A_31 = arith.constant 16 : i32
    %mul3A_32 = arith.muli %select_n3A_30, %mul3A_31 : i32
    "tpu.region"() ({
      %run_scoped3A_80 = tpu.sem_alloc : memref<!tpu.dma_semaphore, #tpu.memory_space<semaphore_mem>>
      %dma_start3A = arith.constant 0 : i32
      %dma_start3A_81 = arith.constant 0 : i32
      %dma_start3A_82 = tpu.memref_slice %arg2[%select_n3A, %mul3A_32, %dma_start3A, %dma_start3A_81] : memref<8x64x8x64xf32, #tpu.memory_space<hbm>> -> memref<1x16x8x64xf32, #tpu.memory_space<hbm>>
      %dma_start3A_83 = tpu.memref_squeeze %dma_start3A_82 : memref<1x16x8x64xf32, #tpu.memory_space<hbm>> -> memref<16x8x64xf32, #tpu.memory_space<hbm>>
      %dma_start3A_84 = arith.constant 0 : i32
      %dma_start3A_85 = arith.constant 0 : i32
      %dma_start3A_86 = tpu.memref_slice %arg2[%select_n3A, %mul3A_32, %dma_start3A_84, %dma_start3A_85] : memref<8x64x8x64xf32, #tpu.memory_space<hbm>> -> memref<1x16x8x64xf32, #tpu.memory_space<hbm>>
      %dma_start3A_87 = tpu.memref_squeeze %dma_start3A_86 : memref<1x16x8x64xf32, #tpu.memory_space<hbm>> -> memref<16x8x64xf32, #tpu.memory_space<hbm>>
      tpu.enqueue_dma source(%dma_start3A_87 : memref<16x8x64xf32, #tpu.memory_space<hbm>>) target(%arg6 : memref<16x8x64xf32, #tpu.memory_space<vmem>>) target_semaphore(%run_scoped3A_80 : memref<!tpu.dma_semaphore, #tpu.memory_space<semaphore_mem>>)
      %dma_wait3A = arith.constant 0 : i32
      %dma_wait3A_88 = arith.constant 0 : i32
      %dma_wait3A_89 = tpu.memref_slice %arg2[%select_n3A, %mul3A_32, %dma_wait3A, %dma_wait3A_88] : memref<8x64x8x64xf32, #tpu.memory_space<hbm>> -> memref<1x16x8x64xf32, #tpu.memory_space<hbm>>
      %dma_wait3A_90 = tpu.memref_squeeze %dma_wait3A_89 : memref<1x16x8x64xf32, #tpu.memory_space<hbm>> -> memref<16x8x64xf32, #tpu.memory_space<hbm>>
      %dma_wait3A_91 = arith.constant 0 : i32
      %dma_wait3A_92 = arith.constant 0 : i32
      %dma_wait3A_93 = tpu.memref_slice %arg2[%select_n3A, %mul3A_32, %dma_wait3A_91, %dma_wait3A_92] : memref<8x64x8x64xf32, #tpu.memory_space<hbm>> -> memref<1x16x8x64xf32, #tpu.memory_space<hbm>>
      %dma_wait3A_94 = tpu.memref_squeeze %dma_wait3A_93 : memref<1x16x8x64xf32, #tpu.memory_space<hbm>> -> memref<16x8x64xf32, #tpu.memory_space<hbm>>
      tpu.wait_dma2 semaphore(%run_scoped3A_80 : memref<!tpu.dma_semaphore, #tpu.memory_space<semaphore_mem>>) src(%dma_wait3A_94 : memref<16x8x64xf32, #tpu.memory_space<hbm>>) dst(%arg6 : memref<16x8x64xf32, #tpu.memory_space<vmem>>)
      tpu.yield
    }) : () -> ()
    %run_scoped3A = arith.constant 0 : i32
    "tpu.region"() ({
      %run_scoped3A_80 = tpu.sem_alloc : memref<!tpu.dma_semaphore, #tpu.memory_space<semaphore_mem>>
      %dma_start3A = arith.constant 128 : i32
      %dma_start3A_81 = tpu.memref_slice %arg3[%run_scoped3A, %dma_start3A] : memref<1x264xf32, #tpu.memory_space<hbm>> -> memref<1x16xf32, #tpu.memory_space<hbm>>
      %dma_start3A_82 = tpu.memref_squeeze %dma_start3A_81 : memref<1x16xf32, #tpu.memory_space<hbm>> -> memref<16xf32, #tpu.memory_space<hbm>>
      %dma_start3A_83 = arith.constant 128 : i32
      %dma_start3A_84 = tpu.memref_slice %arg3[%run_scoped3A, %dma_start3A_83] : memref<1x264xf32, #tpu.memory_space<hbm>> -> memref<1x16xf32, #tpu.memory_space<hbm>>
      %dma_start3A_85 = tpu.memref_squeeze %dma_start3A_84 : memref<1x16xf32, #tpu.memory_space<hbm>> -> memref<16xf32, #tpu.memory_space<hbm>>
      tpu.enqueue_dma source(%dma_start3A_85 : memref<16xf32, #tpu.memory_space<hbm>>) target(%arg8 : memref<16xf32, #tpu.memory_space<vmem>>) target_semaphore(%run_scoped3A_80 : memref<!tpu.dma_semaphore, #tpu.memory_space<semaphore_mem>>)
      %dma_wait3A = arith.constant 128 : i32
      %dma_wait3A_86 = tpu.memref_slice %arg3[%run_scoped3A, %dma_wait3A] : memref<1x264xf32, #tpu.memory_space<hbm>> -> memref<1x16xf32, #tpu.memory_space<hbm>>
      %dma_wait3A_87 = tpu.memref_squeeze %dma_wait3A_86 : memref<1x16xf32, #tpu.memory_space<hbm>> -> memref<16xf32, #tpu.memory_space<hbm>>
      %dma_wait3A_88 = arith.constant 128 : i32
      %dma_wait3A_89 = tpu.memref_slice %arg3[%run_scoped3A, %dma_wait3A_88] : memref<1x264xf32, #tpu.memory_space<hbm>> -> memref<1x16xf32, #tpu.memory_space<hbm>>
      %dma_wait3A_90 = tpu.memref_squeeze %dma_wait3A_89 : memref<1x16xf32, #tpu.memory_space<hbm>> -> memref<16xf32, #tpu.memory_space<hbm>>
      tpu.wait_dma2 semaphore(%run_scoped3A_80 : memref<!tpu.dma_semaphore, #tpu.memory_space<semaphore_mem>>) src(%dma_wait3A_90 : memref<16xf32, #tpu.memory_space<hbm>>) dst(%arg8 : memref<16xf32, #tpu.memory_space<vmem>>)
      tpu.yield
    }) : () -> ()
    "tpu.region"() ({
      %run_scoped3A_80 = tpu.sem_alloc : memref<!tpu.dma_semaphore, #tpu.memory_space<semaphore_mem>>
      %dma_start3A = tpu.memref_slice %arg4[%select_n3A, %mul3A_32] : memref<8x64xi32, #tpu.memory_space<hbm>> -> memref<1x16xi32, #tpu.memory_space<hbm>>
      %dma_start3A_81 = tpu.memref_squeeze %dma_start3A : memref<1x16xi32, #tpu.memory_space<hbm>> -> memref<16xi32, #tpu.memory_space<hbm>>
      %dma_start3A_82 = tpu.memref_slice %arg4[%select_n3A, %mul3A_32] : memref<8x64xi32, #tpu.memory_space<hbm>> -> memref<1x16xi32, #tpu.memory_space<hbm>>
      %dma_start3A_83 = tpu.memref_squeeze %dma_start3A_82 : memref<1x16xi32, #tpu.memory_space<hbm>> -> memref<16xi32, #tpu.memory_space<hbm>>
      tpu.enqueue_dma source(%dma_start3A_83 : memref<16xi32, #tpu.memory_space<hbm>>) target(%arg9 : memref<16xi32, #tpu.memory_space<vmem>>) target_semaphore(%run_scoped3A_80 : memref<!tpu.dma_semaphore, #tpu.memory_space<semaphore_mem>>)
      %dma_wait3A = tpu.memref_slice %arg4[%select_n3A, %mul3A_32] : memref<8x64xi32, #tpu.memory_space<hbm>> -> memref<1x16xi32, #tpu.memory_space<hbm>>
      %dma_wait3A_84 = tpu.memref_squeeze %dma_wait3A : memref<1x16xi32, #tpu.memory_space<hbm>> -> memref<16xi32, #tpu.memory_space<hbm>>
      %dma_wait3A_85 = tpu.memref_slice %arg4[%select_n3A, %mul3A_32] : memref<8x64xi32, #tpu.memory_space<hbm>> -> memref<1x16xi32, #tpu.memory_space<hbm>>
      %dma_wait3A_86 = tpu.memref_squeeze %dma_wait3A_85 : memref<1x16xi32, #tpu.memory_space<hbm>> -> memref<16xi32, #tpu.memory_space<hbm>>
      tpu.wait_dma2 semaphore(%run_scoped3A_80 : memref<!tpu.dma_semaphore, #tpu.memory_space<semaphore_mem>>) src(%dma_wait3A_86 : memref<16xi32, #tpu.memory_space<hbm>>) dst(%arg9 : memref<16xi32, #tpu.memory_space<vmem>>)
      tpu.yield
    }) : () -> ()
    %iota3A = tpu.iota {dimensions = array<i32: 0>} : vector<16xi32>
    %convert_element_type3A = arith.sitofp %iota3A : vector<16xi32> to vector<16xf32>
    %get3A = arith.constant 0 : index
    %get3A_33 = tpu.vector_load %arg8[%get3A] {strides = array<i32>} : memref<16xf32, #tpu.memory_space<vmem>>, vector<16xf32>,
    %broadcast_in_dim3A = arith.constant 0.000000e+00 : f32
    %broadcast_in_dim3A_34 = vector.broadcast %broadcast_in_dim3A : f32 to vector<16xf32>
    %eq3A_35 = arith.constant 0.000000e+00 : f32
    %eq3A_36 = vector.broadcast %eq3A_35 : f32 to vector<16xf32>
    %eq3A_37 = arith.cmpf oeq, %convert_element_type3A, %eq3A_36 : vector<16xf32>
    %convert_element_type3A_38 = arith.extui %eq3A_37 : vector<16xi1> to vector<16xi32>
    %convert_element_type3A_39 = arith.sitofp %convert_element_type3A_38 : vector<16xi32> to vector<16xf32>
    %eq3A_40 = arith.constant 1.000000e+00 : f32
    %eq3A_41 = vector.broadcast %eq3A_40 : f32 to vector<16xf32>
    %eq3A_42 = arith.cmpf oeq, %convert_element_type3A, %eq3A_41 : vector<16xf32>
    %convert_element_type3A_43 = arith.extui %eq3A_42 : vector<16xi1> to vector<16xi32>
    %convert_element_type3A_44 = arith.sitofp %convert_element_type3A_43 : vector<16xi32> to vector<16xf32>
    %eq3A_45 = arith.constant 2.000000e+00 : f32
    %eq3A_46 = vector.broadcast %eq3A_45 : f32 to vector<16xf32>
    %eq3A_47 = arith.cmpf oeq, %convert_element_type3A, %eq3A_46 : vector<16xf32>
    %convert_element_type3A_48 = arith.extui %eq3A_47 : vector<16xi1> to vector<16xi32>
    %convert_element_type3A_49 = arith.sitofp %convert_element_type3A_48 : vector<16xi32> to vector<16xf32>
    %eq3A_50 = arith.constant 3.000000e+00 : f32
    %eq3A_51 = vector.broadcast %eq3A_50 : f32 to vector<16xf32>
    %eq3A_52 = arith.cmpf oeq, %convert_element_type3A, %eq3A_51 : vector<16xf32>
    %convert_element_type3A_53 = arith.extui %eq3A_52 : vector<16xi1> to vector<16xi32>
    %convert_element_type3A_54 = arith.sitofp %convert_element_type3A_53 : vector<16xi32> to vector<16xf32>
    %eq3A_55 = arith.constant 4.000000e+00 : f32
    %eq3A_56 = vector.broadcast %eq3A_55 : f32 to vector<16xf32>
    %eq3A_57 = arith.cmpf oeq, %convert_element_type3A, %eq3A_56 : vector<16xf32>
    %convert_element_type3A_58 = arith.extui %eq3A_57 : vector<16xi1> to vector<16xi32>
    %convert_element_type3A_59 = arith.sitofp %convert_element_type3A_58 : vector<16xi32> to vector<16xf32>
    %eq3A_60 = arith.constant 5.000000e+00 : f32
    %eq3A_61 = vector.broadcast %eq3A_60 : f32 to vector<16xf32>
    %eq3A_62 = arith.cmpf oeq, %convert_element_type3A, %eq3A_61 : vector<16xf32>
    %convert_element_type3A_63 = arith.extui %eq3A_62 : vector<16xi1> to vector<16xi32>
    %convert_element_type3A_64 = arith.sitofp %convert_element_type3A_63 : vector<16xi32> to vector<16xf32>
    %eq3A_65 = arith.constant 6.000000e+00 : f32
    %eq3A_66 = vector.broadcast %eq3A_65 : f32 to vector<16xf32>
    %eq3A_67 = arith.cmpf oeq, %convert_element_type3A, %eq3A_66 : vector<16xf32>
    %convert_element_type3A_68 = arith.extui %eq3A_67 : vector<16xi1> to vector<16xi32>
    %convert_element_type3A_69 = arith.sitofp %convert_element_type3A_68 : vector<16xi32> to vector<16xf32>
    %eq3A_70 = arith.constant 7.000000e+00 : f32
    %eq3A_71 = vector.broadcast %eq3A_70 : f32 to vector<16xf32>
    %eq3A_72 = arith.cmpf oeq, %convert_element_type3A, %eq3A_71 : vector<16xf32>
    %convert_element_type3A_73 = arith.extui %eq3A_72 : vector<16xi1> to vector<16xi32>
    %convert_element_type3A_74 = arith.sitofp %convert_element_type3A_73 : vector<16xi32> to vector<16xf32>
    %scan3A = arith.constant 0 : i32
    %scan3A_75 = arith.constant 0 : i32
    %scan3A_76 = arith.constant 16 : i32
    %scan3A_77 = arith.addi %scan3A_75, %scan3A_76 : i32
    %scan3A_78 = arith.constant 1 : i32
    scf.for %scan3A_80 = %scan3A_75 to %scan3A_77 step %scan3A_78  : i32 {
      %broadcast_in_dim3A_81 = vector.broadcast %scan3A_80 : i32 to vector<16xi32>
      %gather3A = tpu.vector_load_idx %arg9[%broadcast_in_dim3A_81] : memref<16xi32, #tpu.memory_space<vmem>>[vector<16xi32>], vector<16xi32>,
      %ne3A_82 = arith.constant 0 : i32
      %ne3A_83 = vector.broadcast %ne3A_82 : i32 to vector<16xi32>
      %ne3A_84 = arith.cmpi ne, %gather3A, %ne3A_83 : vector<16xi32>
      %convert_element_type3A_85 = arith.extui %ne3A_84 : vector<16xi1> to vector<16xi32>
      %convert_element_type3A_86 = arith.sitofp %convert_element_type3A_85 : vector<16xi32> to vector<16xf32>
      %slice3A = vector.extract_strided_slice %get3A_33 {offsets = [0], sizes = [1], strides = [1]} : vector<16xf32> to vector<1xf32>
      %squeeze3A = vector.extract %slice3A[0] : f32 from vector<1xf32>
      %broadcast_in_dim3A_87 = arith.constant 0 : i32
      %broadcast_in_dim3A_88 = vector.broadcast %broadcast_in_dim3A_87 : i32 to vector<16xi32>
      %get3A_89 = arith.constant 0 : i32
      %get3A_90 = arith.index_cast %scan3A_80 : i32 to index
      %get3A_91 = arith.index_cast %get3A_89 : i32 to index
      %get3A_92 = arith.constant 0 : index
      %get3A_93 = tpu.vector_load %arg6[%get3A_90, %get3A_91, %get3A_92] {strides = array<i32>} : memref<16x8x64xf32, #tpu.memory_space<vmem>>, vector<16xf32>,
      %abs3A = math.absf %get3A_93 : vector<16xf32>
      %gt3A = arith.constant 0.000000e+00 : f32
      %gt3A_94 = vector.broadcast %gt3A : f32 to vector<16xf32>
      %gt3A_95 = arith.cmpf ogt, %abs3A, %gt3A_94 : vector<16xf32>
      %jit3A_96 = arith.constant 1.000000e+00 : f32
      %jit3A_97 = arith.constant 0.000000e+00 : f32
      %broadcast_in_dim3A_98 = vector.broadcast %jit3A_96 : f32 to vector<16xf32>
      %broadcast_in_dim3A_99 = vector.broadcast %jit3A_97 : f32 to vector<16xf32>
      %select_n3A_100 = arith.select %gt3A_95, %broadcast_in_dim3A_98, %broadcast_in_dim3A_99 : vector<16xi1>, vector<16xf32>
      %add3A_101 = arith.addf %broadcast_in_dim3A_34, %select_n3A_100 : vector<16xf32>
      %mul3A_102 = vector.broadcast %squeeze3A : f32 to vector<16xf32>
      %mul3A_103 = arith.mulf %get3A_93, %mul3A_102 : vector<16xf32>
      %add3A_104 = arith.addf %broadcast_in_dim3A_34, %mul3A_103 : vector<16xf32>
      %all_reduce_population_count3A = tpu.all_reduce %gt3A_95 {dim = 0 : i64, kind = #tpu.reduction_kind<sum>} : vector<16xi1> -> vector<16xi32>
      %add3A_105 = arith.addi %broadcast_in_dim3A_88, %all_reduce_population_count3A : vector<16xi32>
      %get3A_106 = arith.constant 0 : i32
      %get3A_107 = arith.index_cast %scan3A_80 : i32 to index
      %get3A_108 = arith.index_cast %get3A_106 : i32 to index
      %get3A_109 = arith.constant 16 : index
      %get3A_110 = tpu.vector_load %arg6[%get3A_107, %get3A_108, %get3A_109] {strides = array<i32>} : memref<16x8x64xf32, #tpu.memory_space<vmem>>, vector<16xf32>,
      %abs3A_111 = math.absf %get3A_110 : vector<16xf32>
      %gt3A_112 = arith.constant 0.000000e+00 : f32
      %gt3A_113 = vector.broadcast %gt3A_112 : f32 to vector<16xf32>
      %gt3A_114 = arith.cmpf ogt, %abs3A_111, %gt3A_113 : vector<16xf32>
      %jit3A_115 = arith.constant 1.000000e+00 : f32
      %jit3A_116 = arith.constant 0.000000e+00 : f32
      %broadcast_in_dim3A_117 = vector.broadcast %jit3A_115 : f32 to vector<16xf32>
      %broadcast_in_dim3A_118 = vector.broadcast %jit3A_116 : f32 to vector<16xf32>
      %select_n3A_119 = arith.select %gt3A_114, %broadcast_in_dim3A_117, %broadcast_in_dim3A_118 : vector<16xi1>, vector<16xf32>
      %add3A_120 = arith.addf %broadcast_in_dim3A_34, %select_n3A_119 : vector<16xf32>
      %mul3A_121 = vector.broadcast %squeeze3A : f32 to vector<16xf32>
      %mul3A_122 = arith.mulf %get3A_110, %mul3A_121 : vector<16xf32>
      %add3A_123 = arith.addf %broadcast_in_dim3A_34, %mul3A_122 : vector<16xf32>
      %all_reduce_population_count3A_124 = tpu.all_reduce %gt3A_114 {dim = 0 : i64, kind = #tpu.reduction_kind<sum>} : vector<16xi1> -> vector<16xi32>
      %add3A_125 = arith.addi %add3A_105, %all_reduce_population_count3A_124 : vector<16xi32>
      %get3A_126 = arith.constant 0 : i32
      %get3A_127 = arith.index_cast %scan3A_80 : i32 to index
      %get3A_128 = arith.index_cast %get3A_126 : i32 to index
      %get3A_129 = arith.constant 32 : index
      %get3A_130 = tpu.vector_load %arg6[%get3A_127, %get3A_128, %get3A_129] {strides = array<i32>} : memref<16x8x64xf32, #tpu.memory_space<vmem>>, vector<16xf32>,
      %abs3A_131 = math.absf %get3A_130 : vector<16xf32>
      %gt3A_132 = arith.constant 0.000000e+00 : f32
      %gt3A_133 = vector.broadcast %gt3A_132 : f32 to vector<16xf32>
      %gt3A_134 = arith.cmpf ogt, %abs3A_131, %gt3A_133 : vector<16xf32>
      %jit3A_135 = arith.constant 1.000000e+00 : f32
      %jit3A_136 = arith.constant 0.000000e+00 : f32
      %broadcast_in_dim3A_137 = vector.broadcast %jit3A_135 : f32 to vector<16xf32>
      %broadcast_in_dim3A_138 = vector.broadcast %jit3A_136 : f32 to vector<16xf32>
      %select_n3A_139 = arith.select %gt3A_134, %broadcast_in_dim3A_137, %broadcast_in_dim3A_138 : vector<16xi1>, vector<16xf32>
      %add3A_140 = arith.addf %broadcast_in_dim3A_34, %select_n3A_139 : vector<16xf32>
      %mul3A_141 = vector.broadcast %squeeze3A : f32 to vector<16xf32>
      %mul3A_142 = arith.mulf %get3A_130, %mul3A_141 : vector<16xf32>
      %add3A_143 = arith.addf %broadcast_in_dim3A_34, %mul3A_142 : vector<16xf32>
      %all_reduce_population_count3A_144 = tpu.all_reduce %gt3A_134 {dim = 0 : i64, kind = #tpu.reduction_kind<sum>} : vector<16xi1> -> vector<16xi32>
      %add3A_145 = arith.addi %add3A_125, %all_reduce_population_count3A_144 : vector<16xi32>
      %get3A_146 = arith.constant 0 : i32
      %get3A_147 = arith.index_cast %scan3A_80 : i32 to index
      %get3A_148 = arith.index_cast %get3A_146 : i32 to index
      %get3A_149 = arith.constant 48 : index
      %get3A_150 = tpu.vector_load %arg6[%get3A_147, %get3A_148, %get3A_149] {strides = array<i32>} : memref<16x8x64xf32, #tpu.memory_space<vmem>>, vector<16xf32>,
      %abs3A_151 = math.absf %get3A_150 : vector<16xf32>
      %gt3A_152 = arith.constant 0.000000e+00 : f32
      %gt3A_153 = vector.broadcast %gt3A_152 : f32 to vector<16xf32>
      %gt3A_154 = arith.cmpf ogt, %abs3A_151, %gt3A_153 : vector<16xf32>
      %jit3A_155 = arith.constant 1.000000e+00 : f32
      %jit3A_156 = arith.constant 0.000000e+00 : f32
      %broadcast_in_dim3A_157 = vector.broadcast %jit3A_155 : f32 to vector<16xf32>
      %broadcast_in_dim3A_158 = vector.broadcast %jit3A_156 : f32 to vector<16xf32>
      %select_n3A_159 = arith.select %gt3A_154, %broadcast_in_dim3A_157, %broadcast_in_dim3A_158 : vector<16xi1>, vector<16xf32>
      %add3A_160 = arith.addf %broadcast_in_dim3A_34, %select_n3A_159 : vector<16xf32>
      %mul3A_161 = vector.broadcast %squeeze3A : f32 to vector<16xf32>
      %mul3A_162 = arith.mulf %get3A_150, %mul3A_161 : vector<16xf32>
      %add3A_163 = arith.addf %broadcast_in_dim3A_34, %mul3A_162 : vector<16xf32>
      %all_reduce_population_count3A_164 = tpu.all_reduce %gt3A_154 {dim = 0 : i64, kind = #tpu.reduction_kind<sum>} : vector<16xi1> -> vector<16xi32>
      %add3A_165 = arith.addi %add3A_145, %all_reduce_population_count3A_164 : vector<16xi32>
      %convert_element_type3A_166 = arith.sitofp %add3A_165 : vector<16xi32> to vector<16xf32>
      %mul3A_167 = arith.mulf %convert_element_type3A_166, %convert_element_type3A_39 : vector<16xf32>
      %add3A_168 = arith.addf %broadcast_in_dim3A_34, %mul3A_167 : vector<16xf32>
      %slice3A_169 = vector.extract_strided_slice %get3A_33 {offsets = [1], sizes = [1], strides = [1]} : vector<16xf32> to vector<1xf32>
      %squeeze3A_170 = vector.extract %slice3A_169[0] : f32 from vector<1xf32>
      %broadcast_in_dim3A_171 = arith.constant 0 : i32
      %broadcast_in_dim3A_172 = vector.broadcast %broadcast_in_dim3A_171 : i32 to vector<16xi32>
      %get3A_173 = arith.constant 1 : i32
      %get3A_174 = arith.index_cast %scan3A_80 : i32 to index
      %get3A_175 = arith.index_cast %get3A_173 : i32 to index
      %get3A_176 = arith.constant 0 : index
      %get3A_177 = tpu.vector_load %arg6[%get3A_174, %get3A_175, %get3A_176] {strides = array<i32>} : memref<16x8x64xf32, #tpu.memory_space<vmem>>, vector<16xf32>,
      %abs3A_178 = math.absf %get3A_177 : vector<16xf32>
      %gt3A_179 = arith.constant 0.000000e+00 : f32
      %gt3A_180 = vector.broadcast %gt3A_179 : f32 to vector<16xf32>
      %gt3A_181 = arith.cmpf ogt, %abs3A_178, %gt3A_180 : vector<16xf32>
      %jit3A_182 = arith.constant 1.000000e+00 : f32
      %jit3A_183 = arith.constant 0.000000e+00 : f32
      %broadcast_in_dim3A_184 = vector.broadcast %jit3A_182 : f32 to vector<16xf32>
      %broadcast_in_dim3A_185 = vector.broadcast %jit3A_183 : f32 to vector<16xf32>
      %select_n3A_186 = arith.select %gt3A_181, %broadcast_in_dim3A_184, %broadcast_in_dim3A_185 : vector<16xi1>, vector<16xf32>
      %add3A_187 = arith.addf %add3A_101, %select_n3A_186 : vector<16xf32>
      %mul3A_188 = vector.broadcast %squeeze3A_170 : f32 to vector<16xf32>
      %mul3A_189 = arith.mulf %get3A_177, %mul3A_188 : vector<16xf32>
      %add3A_190 = arith.addf %add3A_104, %mul3A_189 : vector<16xf32>
      %all_reduce_population_count3A_191 = tpu.all_reduce %gt3A_181 {dim = 0 : i64, kind = #tpu.reduction_kind<sum>} : vector<16xi1> -> vector<16xi32>
      %add3A_192 = arith.addi %broadcast_in_dim3A_172, %all_reduce_population_count3A_191 : vector<16xi32>
      %get3A_193 = arith.constant 1 : i32
      %get3A_194 = arith.index_cast %scan3A_80 : i32 to index
      %get3A_195 = arith.index_cast %get3A_193 : i32 to index
      %get3A_196 = arith.constant 16 : index
      %get3A_197 = tpu.vector_load %arg6[%get3A_194, %get3A_195, %get3A_196] {strides = array<i32>} : memref<16x8x64xf32, #tpu.memory_space<vmem>>, vector<16xf32>,
      %abs3A_198 = math.absf %get3A_197 : vector<16xf32>
      %gt3A_199 = arith.constant 0.000000e+00 : f32
      %gt3A_200 = vector.broadcast %gt3A_199 : f32 to vector<16xf32>
      %gt3A_201 = arith.cmpf ogt, %abs3A_198, %gt3A_200 : vector<16xf32>
      %jit3A_202 = arith.constant 1.000000e+00 : f32
      %jit3A_203 = arith.constant 0.000000e+00 : f32
      %broadcast_in_dim3A_204 = vector.broadcast %jit3A_202 : f32 to vector<16xf32>
      %broadcast_in_dim3A_205 = vector.broadcast %jit3A_203 : f32 to vector<16xf32>
      %select_n3A_206 = arith.select %gt3A_201, %broadcast_in_dim3A_204, %broadcast_in_dim3A_205 : vector<16xi1>, vector<16xf32>
      %add3A_207 = arith.addf %add3A_120, %select_n3A_206 : vector<16xf32>
      %mul3A_208 = vector.broadcast %squeeze3A_170 : f32 to vector<16xf32>
      %mul3A_209 = arith.mulf %get3A_197, %mul3A_208 : vector<16xf32>
      %add3A_210 = arith.addf %add3A_123, %mul3A_209 : vector<16xf32>
      %all_reduce_population_count3A_211 = tpu.all_reduce %gt3A_201 {dim = 0 : i64, kind = #tpu.reduction_kind<sum>} : vector<16xi1> -> vector<16xi32>
      %add3A_212 = arith.addi %add3A_192, %all_reduce_population_count3A_211 : vector<16xi32>
      %get3A_213 = arith.constant 1 : i32
      %get3A_214 = arith.index_cast %scan3A_80 : i32 to index
      %get3A_215 = arith.index_cast %get3A_213 : i32 to index
      %get3A_216 = arith.constant 32 : index
      %get3A_217 = tpu.vector_load %arg6[%get3A_214, %get3A_215, %get3A_216] {strides = array<i32>} : memref<16x8x64xf32, #tpu.memory_space<vmem>>, vector<16xf32>,
      %abs3A_218 = math.absf %get3A_217 : vector<16xf32>
      %gt3A_219 = arith.constant 0.000000e+00 : f32
      %gt3A_220 = vector.broadcast %gt3A_219 : f32 to vector<16xf32>
      %gt3A_221 = arith.cmpf ogt, %abs3A_218, %gt3A_220 : vector<16xf32>
      %jit3A_222 = arith.constant 1.000000e+00 : f32
      %jit3A_223 = arith.constant 0.000000e+00 : f32
      %broadcast_in_dim3A_224 = vector.broadcast %jit3A_222 : f32 to vector<16xf32>
      %broadcast_in_dim3A_225 = vector.broadcast %jit3A_223 : f32 to vector<16xf32>
      %select_n3A_226 = arith.select %gt3A_221, %broadcast_in_dim3A_224, %broadcast_in_dim3A_225 : vector<16xi1>, vector<16xf32>
      %add3A_227 = arith.addf %add3A_140, %select_n3A_226 : vector<16xf32>
      %mul3A_228 = vector.broadcast %squeeze3A_170 : f32 to vector<16xf32>
      %mul3A_229 = arith.mulf %get3A_217, %mul3A_228 : vector<16xf32>
      %add3A_230 = arith.addf %add3A_143, %mul3A_229 : vector<16xf32>
      %all_reduce_population_count3A_231 = tpu.all_reduce %gt3A_221 {dim = 0 : i64, kind = #tpu.reduction_kind<sum>} : vector<16xi1> -> vector<16xi32>
      %add3A_232 = arith.addi %add3A_212, %all_reduce_population_count3A_231 : vector<16xi32>
      %get3A_233 = arith.constant 1 : i32
      %get3A_234 = arith.index_cast %scan3A_80 : i32 to index
      %get3A_235 = arith.index_cast %get3A_233 : i32 to index
      %get3A_236 = arith.constant 48 : index
      %get3A_237 = tpu.vector_load %arg6[%get3A_234, %get3A_235, %get3A_236] {strides = array<i32>} : memref<16x8x64xf32, #tpu.memory_space<vmem>>, vector<16xf32>,
      %abs3A_238 = math.absf %get3A_237 : vector<16xf32>
      %gt3A_239 = arith.constant 0.000000e+00 : f32
      %gt3A_240 = vector.broadcast %gt3A_239 : f32 to vector<16xf32>
      %gt3A_241 = arith.cmpf ogt, %abs3A_238, %gt3A_240 : vector<16xf32>
      %jit3A_242 = arith.constant 1.000000e+00 : f32
      %jit3A_243 = arith.constant 0.000000e+00 : f32
      %broadcast_in_dim3A_244 = vector.broadcast %jit3A_242 : f32 to vector<16xf32>
      %broadcast_in_dim3A_245 = vector.broadcast %jit3A_243 : f32 to vector<16xf32>
      %select_n3A_246 = arith.select %gt3A_241, %broadcast_in_dim3A_244, %broadcast_in_dim3A_245 : vector<16xi1>, vector<16xf32>
      %add3A_247 = arith.addf %add3A_160, %select_n3A_246 : vector<16xf32>
      %mul3A_248 = vector.broadcast %squeeze3A_170 : f32 to vector<16xf32>
      %mul3A_249 = arith.mulf %get3A_237, %mul3A_248 : vector<16xf32>
      %add3A_250 = arith.addf %add3A_163, %mul3A_249 : vector<16xf32>
      %all_reduce_population_count3A_251 = tpu.all_reduce %gt3A_241 {dim = 0 : i64, kind = #tpu.reduction_kind<sum>} : vector<16xi1> -> vector<16xi32>
      %add3A_252 = arith.addi %add3A_232, %all_reduce_population_count3A_251 : vector<16xi32>
      %convert_element_type3A_253 = arith.sitofp %add3A_252 : vector<16xi32> to vector<16xf32>
      %mul3A_254 = arith.mulf %convert_element_type3A_253, %convert_element_type3A_44 : vector<16xf32>
      %add3A_255 = arith.addf %add3A_168, %mul3A_254 : vector<16xf32>
      %slice3A_256 = vector.extract_strided_slice %get3A_33 {offsets = [2], sizes = [1], strides = [1]} : vector<16xf32> to vector<1xf32>
      %squeeze3A_257 = vector.extract %slice3A_256[0] : f32 from vector<1xf32>
      %broadcast_in_dim3A_258 = arith.constant 0 : i32
      %broadcast_in_dim3A_259 = vector.broadcast %broadcast_in_dim3A_258 : i32 to vector<16xi32>
      %get3A_260 = arith.constant 2 : i32
      %get3A_261 = arith.index_cast %scan3A_80 : i32 to index
      %get3A_262 = arith.index_cast %get3A_260 : i32 to index
      %get3A_263 = arith.constant 0 : index
      %get3A_264 = tpu.vector_load %arg6[%get3A_261, %get3A_262, %get3A_263] {strides = array<i32>} : memref<16x8x64xf32, #tpu.memory_space<vmem>>, vector<16xf32>,
      %abs3A_265 = math.absf %get3A_264 : vector<16xf32>
      %gt3A_266 = arith.constant 0.000000e+00 : f32
      %gt3A_267 = vector.broadcast %gt3A_266 : f32 to vector<16xf32>
      %gt3A_268 = arith.cmpf ogt, %abs3A_265, %gt3A_267 : vector<16xf32>
      %jit3A_269 = arith.constant 1.000000e+00 : f32
      %jit3A_270 = arith.constant 0.000000e+00 : f32
      %broadcast_in_dim3A_271 = vector.broadcast %jit3A_269 : f32 to vector<16xf32>
      %broadcast_in_dim3A_272 = vector.broadcast %jit3A_270 : f32 to vector<16xf32>
      %select_n3A_273 = arith.select %gt3A_268, %broadcast_in_dim3A_271, %broadcast_in_dim3A_272 : vector<16xi1>, vector<16xf32>
      %add3A_274 = arith.addf %add3A_187, %select_n3A_273 : vector<16xf32>
      %mul3A_275 = vector.broadcast %squeeze3A_257 : f32 to vector<16xf32>
      %mul3A_276 = arith.mulf %get3A_264, %mul3A_275 : vector<16xf32>
      %add3A_277 = arith.addf %add3A_190, %mul3A_276 : vector<16xf32>
      %all_reduce_population_count3A_278 = tpu.all_reduce %gt3A_268 {dim = 0 : i64, kind = #tpu.reduction_kind<sum>} : vector<16xi1> -> vector<16xi32>
      %add3A_279 = arith.addi %broadcast_in_dim3A_259, %all_reduce_population_count3A_278 : vector<16xi32>
      %get3A_280 = arith.constant 2 : i32
      %get3A_281 = arith.index_cast %scan3A_80 : i32 to index
      %get3A_282 = arith.index_cast %get3A_280 : i32 to index
      %get3A_283 = arith.constant 16 : index
      %get3A_284 = tpu.vector_load %arg6[%get3A_281, %get3A_282, %get3A_283] {strides = array<i32>} : memref<16x8x64xf32, #tpu.memory_space<vmem>>, vector<16xf32>,
      %abs3A_285 = math.absf %get3A_284 : vector<16xf32>
      %gt3A_286 = arith.constant 0.000000e+00 : f32
      %gt3A_287 = vector.broadcast %gt3A_286 : f32 to vector<16xf32>
      %gt3A_288 = arith.cmpf ogt, %abs3A_285, %gt3A_287 : vector<16xf32>
      %jit3A_289 = arith.constant 1.000000e+00 : f32
      %jit3A_290 = arith.constant 0.000000e+00 : f32
      %broadcast_in_dim3A_291 = vector.broadcast %jit3A_289 : f32 to vector<16xf32>
      %broadcast_in_dim3A_292 = vector.broadcast %jit3A_290 : f32 to vector<16xf32>
      %select_n3A_293 = arith.select %gt3A_288, %broadcast_in_dim3A_291, %broadcast_in_dim3A_292 : vector<16xi1>, vector<16xf32>
      %add3A_294 = arith.addf %add3A_207, %select_n3A_293 : vector<16xf32>
      %mul3A_295 = vector.broadcast %squeeze3A_257 : f32 to vector<16xf32>
      %mul3A_296 = arith.mulf %get3A_284, %mul3A_295 : vector<16xf32>
      %add3A_297 = arith.addf %add3A_210, %mul3A_296 : vector<16xf32>
      %all_reduce_population_count3A_298 = tpu.all_reduce %gt3A_288 {dim = 0 : i64, kind = #tpu.reduction_kind<sum>} : vector<16xi1> -> vector<16xi32>
      %add3A_299 = arith.addi %add3A_279, %all_reduce_population_count3A_298 : vector<16xi32>
      %get3A_300 = arith.constant 2 : i32
      %get3A_301 = arith.index_cast %scan3A_80 : i32 to index
      %get3A_302 = arith.index_cast %get3A_300 : i32 to index
      %get3A_303 = arith.constant 32 : index
      %get3A_304 = tpu.vector_load %arg6[%get3A_301, %get3A_302, %get3A_303] {strides = array<i32>} : memref<16x8x64xf32, #tpu.memory_space<vmem>>, vector<16xf32>,
      %abs3A_305 = math.absf %get3A_304 : vector<16xf32>
      %gt3A_306 = arith.constant 0.000000e+00 : f32
      %gt3A_307 = vector.broadcast %gt3A_306 : f32 to vector<16xf32>
      %gt3A_308 = arith.cmpf ogt, %abs3A_305, %gt3A_307 : vector<16xf32>
      %jit3A_309 = arith.constant 1.000000e+00 : f32
      %jit3A_310 = arith.constant 0.000000e+00 : f32
      %broadcast_in_dim3A_311 = vector.broadcast %jit3A_309 : f32 to vector<16xf32>
      %broadcast_in_dim3A_312 = vector.broadcast %jit3A_310 : f32 to vector<16xf32>
      %select_n3A_313 = arith.select %gt3A_308, %broadcast_in_dim3A_311, %broadcast_in_dim3A_312 : vector<16xi1>, vector<16xf32>
      %add3A_314 = arith.addf %add3A_227, %select_n3A_313 : vector<16xf32>
      %mul3A_315 = vector.broadcast %squeeze3A_257 : f32 to vector<16xf32>
      %mul3A_316 = arith.mulf %get3A_304, %mul3A_315 : vector<16xf32>
      %add3A_317 = arith.addf %add3A_230, %mul3A_316 : vector<16xf32>
      %all_reduce_population_count3A_318 = tpu.all_reduce %gt3A_308 {dim = 0 : i64, kind = #tpu.reduction_kind<sum>} : vector<16xi1> -> vector<16xi32>
      %add3A_319 = arith.addi %add3A_299, %all_reduce_population_count3A_318 : vector<16xi32>
      %get3A_320 = arith.constant 2 : i32
      %get3A_321 = arith.index_cast %scan3A_80 : i32 to index
      %get3A_322 = arith.index_cast %get3A_320 : i32 to index
      %get3A_323 = arith.constant 48 : index
      %get3A_324 = tpu.vector_load %arg6[%get3A_321, %get3A_322, %get3A_323] {strides = array<i32>} : memref<16x8x64xf32, #tpu.memory_space<vmem>>, vector<16xf32>,
      %abs3A_325 = math.absf %get3A_324 : vector<16xf32>
      %gt3A_326 = arith.constant 0.000000e+00 : f32
      %gt3A_327 = vector.broadcast %gt3A_326 : f32 to vector<16xf32>
      %gt3A_328 = arith.cmpf ogt, %abs3A_325, %gt3A_327 : vector<16xf32>
      %jit3A_329 = arith.constant 1.000000e+00 : f32
      %jit3A_330 = arith.constant 0.000000e+00 : f32
      %broadcast_in_dim3A_331 = vector.broadcast %jit3A_329 : f32 to vector<16xf32>
      %broadcast_in_dim3A_332 = vector.broadcast %jit3A_330 : f32 to vector<16xf32>
      %select_n3A_333 = arith.select %gt3A_328, %broadcast_in_dim3A_331, %broadcast_in_dim3A_332 : vector<16xi1>, vector<16xf32>
      %add3A_334 = arith.addf %add3A_247, %select_n3A_333 : vector<16xf32>
      %mul3A_335 = vector.broadcast %squeeze3A_257 : f32 to vector<16xf32>
      %mul3A_336 = arith.mulf %get3A_324, %mul3A_335 : vector<16xf32>
      %add3A_337 = arith.addf %add3A_250, %mul3A_336 : vector<16xf32>
      %all_reduce_population_count3A_338 = tpu.all_reduce %gt3A_328 {dim = 0 : i64, kind = #tpu.reduction_kind<sum>} : vector<16xi1> -> vector<16xi32>
      %add3A_339 = arith.addi %add3A_319, %all_reduce_population_count3A_338 : vector<16xi32>
      %convert_element_type3A_340 = arith.sitofp %add3A_339 : vector<16xi32> to vector<16xf32>
      %mul3A_341 = arith.mulf %convert_element_type3A_340, %convert_element_type3A_49 : vector<16xf32>
      %add3A_342 = arith.addf %add3A_255, %mul3A_341 : vector<16xf32>
      %slice3A_343 = vector.extract_strided_slice %get3A_33 {offsets = [3], sizes = [1], strides = [1]} : vector<16xf32> to vector<1xf32>
      %squeeze3A_344 = vector.extract %slice3A_343[0] : f32 from vector<1xf32>
      %broadcast_in_dim3A_345 = arith.constant 0 : i32
      %broadcast_in_dim3A_346 = vector.broadcast %broadcast_in_dim3A_345 : i32 to vector<16xi32>
      %get3A_347 = arith.constant 3 : i32
      %get3A_348 = arith.index_cast %scan3A_80 : i32 to index
      %get3A_349 = arith.index_cast %get3A_347 : i32 to index
      %get3A_350 = arith.constant 0 : index
      %get3A_351 = tpu.vector_load %arg6[%get3A_348, %get3A_349, %get3A_350] {strides = array<i32>} : memref<16x8x64xf32, #tpu.memory_space<vmem>>, vector<16xf32>,
      %abs3A_352 = math.absf %get3A_351 : vector<16xf32>
      %gt3A_353 = arith.constant 0.000000e+00 : f32
      %gt3A_354 = vector.broadcast %gt3A_353 : f32 to vector<16xf32>
      %gt3A_355 = arith.cmpf ogt, %abs3A_352, %gt3A_354 : vector<16xf32>
      %jit3A_356 = arith.constant 1.000000e+00 : f32
      %jit3A_357 = arith.constant 0.000000e+00 : f32
      %broadcast_in_dim3A_358 = vector.broadcast %jit3A_356 : f32 to vector<16xf32>
      %broadcast_in_dim3A_359 = vector.broadcast %jit3A_357 : f32 to vector<16xf32>
      %select_n3A_360 = arith.select %gt3A_355, %broadcast_in_dim3A_358, %broadcast_in_dim3A_359 : vector<16xi1>, vector<16xf32>
      %add3A_361 = arith.addf %add3A_274, %select_n3A_360 : vector<16xf32>
      %mul3A_362 = vector.broadcast %squeeze3A_344 : f32 to vector<16xf32>
      %mul3A_363 = arith.mulf %get3A_351, %mul3A_362 : vector<16xf32>
      %add3A_364 = arith.addf %add3A_277, %mul3A_363 : vector<16xf32>
      %all_reduce_population_count3A_365 = tpu.all_reduce %gt3A_355 {dim = 0 : i64, kind = #tpu.reduction_kind<sum>} : vector<16xi1> -> vector<16xi32>
      %add3A_366 = arith.addi %broadcast_in_dim3A_346, %all_reduce_population_count3A_365 : vector<16xi32>
      %get3A_367 = arith.constant 3 : i32
      %get3A_368 = arith.index_cast %scan3A_80 : i32 to index
      %get3A_369 = arith.index_cast %get3A_367 : i32 to index
      %get3A_370 = arith.constant 16 : index
      %get3A_371 = tpu.vector_load %arg6[%get3A_368, %get3A_369, %get3A_370] {strides = array<i32>} : memref<16x8x64xf32, #tpu.memory_space<vmem>>, vector<16xf32>,
      %abs3A_372 = math.absf %get3A_371 : vector<16xf32>
      %gt3A_373 = arith.constant 0.000000e+00 : f32
      %gt3A_374 = vector.broadcast %gt3A_373 : f32 to vector<16xf32>
      %gt3A_375 = arith.cmpf ogt, %abs3A_372, %gt3A_374 : vector<16xf32>
      %jit3A_376 = arith.constant 1.000000e+00 : f32
      %jit3A_377 = arith.constant 0.000000e+00 : f32
      %broadcast_in_dim3A_378 = vector.broadcast %jit3A_376 : f32 to vector<16xf32>
      %broadcast_in_dim3A_379 = vector.broadcast %jit3A_377 : f32 to vector<16xf32>
      %select_n3A_380 = arith.select %gt3A_375, %broadcast_in_dim3A_378, %broadcast_in_dim3A_379 : vector<16xi1>, vector<16xf32>
      %add3A_381 = arith.addf %add3A_294, %select_n3A_380 : vector<16xf32>
      %mul3A_382 = vector.broadcast %squeeze3A_344 : f32 to vector<16xf32>
      %mul3A_383 = arith.mulf %get3A_371, %mul3A_382 : vector<16xf32>
      %add3A_384 = arith.addf %add3A_297, %mul3A_383 : vector<16xf32>
      %all_reduce_population_count3A_385 = tpu.all_reduce %gt3A_375 {dim = 0 : i64, kind = #tpu.reduction_kind<sum>} : vector<16xi1> -> vector<16xi32>
      %add3A_386 = arith.addi %add3A_366, %all_reduce_population_count3A_385 : vector<16xi32>
      %get3A_387 = arith.constant 3 : i32
      %get3A_388 = arith.index_cast %scan3A_80 : i32 to index
      %get3A_389 = arith.index_cast %get3A_387 : i32 to index
      %get3A_390 = arith.constant 32 : index
      %get3A_391 = tpu.vector_load %arg6[%get3A_388, %get3A_389, %get3A_390] {strides = array<i32>} : memref<16x8x64xf32, #tpu.memory_space<vmem>>, vector<16xf32>,
      %abs3A_392 = math.absf %get3A_391 : vector<16xf32>
      %gt3A_393 = arith.constant 0.000000e+00 : f32
      %gt3A_394 = vector.broadcast %gt3A_393 : f32 to vector<16xf32>
      %gt3A_395 = arith.cmpf ogt, %abs3A_392, %gt3A_394 : vector<16xf32>
      %jit3A_396 = arith.constant 1.000000e+00 : f32
      %jit3A_397 = arith.constant 0.000000e+00 : f32
      %broadcast_in_dim3A_398 = vector.broadcast %jit3A_396 : f32 to vector<16xf32>
      %broadcast_in_dim3A_399 = vector.broadcast %jit3A_397 : f32 to vector<16xf32>
      %select_n3A_400 = arith.select %gt3A_395, %broadcast_in_dim3A_398, %broadcast_in_dim3A_399 : vector<16xi1>, vector<16xf32>
      %add3A_401 = arith.addf %add3A_314, %select_n3A_400 : vector<16xf32>
      %mul3A_402 = vector.broadcast %squeeze3A_344 : f32 to vector<16xf32>
      %mul3A_403 = arith.mulf %get3A_391, %mul3A_402 : vector<16xf32>
      %add3A_404 = arith.addf %add3A_317, %mul3A_403 : vector<16xf32>
      %all_reduce_population_count3A_405 = tpu.all_reduce %gt3A_395 {dim = 0 : i64, kind = #tpu.reduction_kind<sum>} : vector<16xi1> -> vector<16xi32>
      %add3A_406 = arith.addi %add3A_386, %all_reduce_population_count3A_405 : vector<16xi32>
      %get3A_407 = arith.constant 3 : i32
      %get3A_408 = arith.index_cast %scan3A_80 : i32 to index
      %get3A_409 = arith.index_cast %get3A_407 : i32 to index
      %get3A_410 = arith.constant 48 : index
      %get3A_411 = tpu.vector_load %arg6[%get3A_408, %get3A_409, %get3A_410] {strides = array<i32>} : memref<16x8x64xf32, #tpu.memory_space<vmem>>, vector<16xf32>,
      %abs3A_412 = math.absf %get3A_411 : vector<16xf32>
      %gt3A_413 = arith.constant 0.000000e+00 : f32
      %gt3A_414 = vector.broadcast %gt3A_413 : f32 to vector<16xf32>
      %gt3A_415 = arith.cmpf ogt, %abs3A_412, %gt3A_414 : vector<16xf32>
      %jit3A_416 = arith.constant 1.000000e+00 : f32
      %jit3A_417 = arith.constant 0.000000e+00 : f32
      %broadcast_in_dim3A_418 = vector.broadcast %jit3A_416 : f32 to vector<16xf32>
      %broadcast_in_dim3A_419 = vector.broadcast %jit3A_417 : f32 to vector<16xf32>
      %select_n3A_420 = arith.select %gt3A_415, %broadcast_in_dim3A_418, %broadcast_in_dim3A_419 : vector<16xi1>, vector<16xf32>
      %add3A_421 = arith.addf %add3A_334, %select_n3A_420 : vector<16xf32>
      %mul3A_422 = vector.broadcast %squeeze3A_344 : f32 to vector<16xf32>
      %mul3A_423 = arith.mulf %get3A_411, %mul3A_422 : vector<16xf32>
      %add3A_424 = arith.addf %add3A_337, %mul3A_423 : vector<16xf32>
      %all_reduce_population_count3A_425 = tpu.all_reduce %gt3A_415 {dim = 0 : i64, kind = #tpu.reduction_kind<sum>} : vector<16xi1> -> vector<16xi32>
      %add3A_426 = arith.addi %add3A_406, %all_reduce_population_count3A_425 : vector<16xi32>
      %convert_element_type3A_427 = arith.sitofp %add3A_426 : vector<16xi32> to vector<16xf32>
      %mul3A_428 = arith.mulf %convert_element_type3A_427, %convert_element_type3A_54 : vector<16xf32>
      %add3A_429 = arith.addf %add3A_342, %mul3A_428 : vector<16xf32>
      %slice3A_430 = vector.extract_strided_slice %get3A_33 {offsets = [4], sizes = [1], strides = [1]} : vector<16xf32> to vector<1xf32>
      %squeeze3A_431 = vector.extract %slice3A_430[0] : f32 from vector<1xf32>
      %broadcast_in_dim3A_432 = arith.constant 0 : i32
      %broadcast_in_dim3A_433 = vector.broadcast %broadcast_in_dim3A_432 : i32 to vector<16xi32>
      %get3A_434 = arith.constant 4 : i32
      %get3A_435 = arith.index_cast %scan3A_80 : i32 to index
      %get3A_436 = arith.index_cast %get3A_434 : i32 to index
      %get3A_437 = arith.constant 0 : index
      %get3A_438 = tpu.vector_load %arg6[%get3A_435, %get3A_436, %get3A_437] {strides = array<i32>} : memref<16x8x64xf32, #tpu.memory_space<vmem>>, vector<16xf32>,
      %abs3A_439 = math.absf %get3A_438 : vector<16xf32>
      %gt3A_440 = arith.constant 0.000000e+00 : f32
      %gt3A_441 = vector.broadcast %gt3A_440 : f32 to vector<16xf32>
      %gt3A_442 = arith.cmpf ogt, %abs3A_439, %gt3A_441 : vector<16xf32>
      %jit3A_443 = arith.constant 1.000000e+00 : f32
      %jit3A_444 = arith.constant 0.000000e+00 : f32
      %broadcast_in_dim3A_445 = vector.broadcast %jit3A_443 : f32 to vector<16xf32>
      %broadcast_in_dim3A_446 = vector.broadcast %jit3A_444 : f32 to vector<16xf32>
      %select_n3A_447 = arith.select %gt3A_442, %broadcast_in_dim3A_445, %broadcast_in_dim3A_446 : vector<16xi1>, vector<16xf32>
      %add3A_448 = arith.addf %add3A_361, %select_n3A_447 : vector<16xf32>
      %mul3A_449 = vector.broadcast %squeeze3A_431 : f32 to vector<16xf32>
      %mul3A_450 = arith.mulf %get3A_438, %mul3A_449 : vector<16xf32>
      %add3A_451 = arith.addf %add3A_364, %mul3A_450 : vector<16xf32>
      %all_reduce_population_count3A_452 = tpu.all_reduce %gt3A_442 {dim = 0 : i64, kind = #tpu.reduction_kind<sum>} : vector<16xi1> -> vector<16xi32>
      %add3A_453 = arith.addi %broadcast_in_dim3A_433, %all_reduce_population_count3A_452 : vector<16xi32>
      %get3A_454 = arith.constant 4 : i32
      %get3A_455 = arith.index_cast %scan3A_80 : i32 to index
      %get3A_456 = arith.index_cast %get3A_454 : i32 to index
      %get3A_457 = arith.constant 16 : index
      %get3A_458 = tpu.vector_load %arg6[%get3A_455, %get3A_456, %get3A_457] {strides = array<i32>} : memref<16x8x64xf32, #tpu.memory_space<vmem>>, vector<16xf32>,
      %abs3A_459 = math.absf %get3A_458 : vector<16xf32>
      %gt3A_460 = arith.constant 0.000000e+00 : f32
      %gt3A_461 = vector.broadcast %gt3A_460 : f32 to vector<16xf32>
      %gt3A_462 = arith.cmpf ogt, %abs3A_459, %gt3A_461 : vector<16xf32>
      %jit3A_463 = arith.constant 1.000000e+00 : f32
      %jit3A_464 = arith.constant 0.000000e+00 : f32
      %broadcast_in_dim3A_465 = vector.broadcast %jit3A_463 : f32 to vector<16xf32>
      %broadcast_in_dim3A_466 = vector.broadcast %jit3A_464 : f32 to vector<16xf32>
      %select_n3A_467 = arith.select %gt3A_462, %broadcast_in_dim3A_465, %broadcast_in_dim3A_466 : vector<16xi1>, vector<16xf32>
      %add3A_468 = arith.addf %add3A_381, %select_n3A_467 : vector<16xf32>
      %mul3A_469 = vector.broadcast %squeeze3A_431 : f32 to vector<16xf32>
      %mul3A_470 = arith.mulf %get3A_458, %mul3A_469 : vector<16xf32>
      %add3A_471 = arith.addf %add3A_384, %mul3A_470 : vector<16xf32>
      %all_reduce_population_count3A_472 = tpu.all_reduce %gt3A_462 {dim = 0 : i64, kind = #tpu.reduction_kind<sum>} : vector<16xi1> -> vector<16xi32>
      %add3A_473 = arith.addi %add3A_453, %all_reduce_population_count3A_472 : vector<16xi32>
      %get3A_474 = arith.constant 4 : i32
      %get3A_475 = arith.index_cast %scan3A_80 : i32 to index
      %get3A_476 = arith.index_cast %get3A_474 : i32 to index
      %get3A_477 = arith.constant 32 : index
      %get3A_478 = tpu.vector_load %arg6[%get3A_475, %get3A_476, %get3A_477] {strides = array<i32>} : memref<16x8x64xf32, #tpu.memory_space<vmem>>, vector<16xf32>,
      %abs3A_479 = math.absf %get3A_478 : vector<16xf32>
      %gt3A_480 = arith.constant 0.000000e+00 : f32
      %gt3A_481 = vector.broadcast %gt3A_480 : f32 to vector<16xf32>
      %gt3A_482 = arith.cmpf ogt, %abs3A_479, %gt3A_481 : vector<16xf32>
      %jit3A_483 = arith.constant 1.000000e+00 : f32
      %jit3A_484 = arith.constant 0.000000e+00 : f32
      %broadcast_in_dim3A_485 = vector.broadcast %jit3A_483 : f32 to vector<16xf32>
      %broadcast_in_dim3A_486 = vector.broadcast %jit3A_484 : f32 to vector<16xf32>
      %select_n3A_487 = arith.select %gt3A_482, %broadcast_in_dim3A_485, %broadcast_in_dim3A_486 : vector<16xi1>, vector<16xf32>
      %add3A_488 = arith.addf %add3A_401, %select_n3A_487 : vector<16xf32>
      %mul3A_489 = vector.broadcast %squeeze3A_431 : f32 to vector<16xf32>
      %mul3A_490 = arith.mulf %get3A_478, %mul3A_489 : vector<16xf32>
      %add3A_491 = arith.addf %add3A_404, %mul3A_490 : vector<16xf32>
      %all_reduce_population_count3A_492 = tpu.all_reduce %gt3A_482 {dim = 0 : i64, kind = #tpu.reduction_kind<sum>} : vector<16xi1> -> vector<16xi32>
      %add3A_493 = arith.addi %add3A_473, %all_reduce_population_count3A_492 : vector<16xi32>
      %get3A_494 = arith.constant 4 : i32
      %get3A_495 = arith.index_cast %scan3A_80 : i32 to index
      %get3A_496 = arith.index_cast %get3A_494 : i32 to index
      %get3A_497 = arith.constant 48 : index
      %get3A_498 = tpu.vector_load %arg6[%get3A_495, %get3A_496, %get3A_497] {strides = array<i32>} : memref<16x8x64xf32, #tpu.memory_space<vmem>>, vector<16xf32>,
      %abs3A_499 = math.absf %get3A_498 : vector<16xf32>
      %gt3A_500 = arith.constant 0.000000e+00 : f32
      %gt3A_501 = vector.broadcast %gt3A_500 : f32 to vector<16xf32>
      %gt3A_502 = arith.cmpf ogt, %abs3A_499, %gt3A_501 : vector<16xf32>
      %jit3A_503 = arith.constant 1.000000e+00 : f32
      %jit3A_504 = arith.constant 0.000000e+00 : f32
      %broadcast_in_dim3A_505 = vector.broadcast %jit3A_503 : f32 to vector<16xf32>
      %broadcast_in_dim3A_506 = vector.broadcast %jit3A_504 : f32 to vector<16xf32>
      %select_n3A_507 = arith.select %gt3A_502, %broadcast_in_dim3A_505, %broadcast_in_dim3A_506 : vector<16xi1>, vector<16xf32>
      %add3A_508 = arith.addf %add3A_421, %select_n3A_507 : vector<16xf32>
      %mul3A_509 = vector.broadcast %squeeze3A_431 : f32 to vector<16xf32>
      %mul3A_510 = arith.mulf %get3A_498, %mul3A_509 : vector<16xf32>
      %add3A_511 = arith.addf %add3A_424, %mul3A_510 : vector<16xf32>
      %all_reduce_population_count3A_512 = tpu.all_reduce %gt3A_502 {dim = 0 : i64, kind = #tpu.reduction_kind<sum>} : vector<16xi1> -> vector<16xi32>
      %add3A_513 = arith.addi %add3A_493, %all_reduce_population_count3A_512 : vector<16xi32>
      %convert_element_type3A_514 = arith.sitofp %add3A_513 : vector<16xi32> to vector<16xf32>
      %mul3A_515 = arith.mulf %convert_element_type3A_514, %convert_element_type3A_59 : vector<16xf32>
      %add3A_516 = arith.addf %add3A_429, %mul3A_515 : vector<16xf32>
      %slice3A_517 = vector.extract_strided_slice %get3A_33 {offsets = [5], sizes = [1], strides = [1]} : vector<16xf32> to vector<1xf32>
      %squeeze3A_518 = vector.extract %slice3A_517[0] : f32 from vector<1xf32>
      %broadcast_in_dim3A_519 = arith.constant 0 : i32
      %broadcast_in_dim3A_520 = vector.broadcast %broadcast_in_dim3A_519 : i32 to vector<16xi32>
      %get3A_521 = arith.constant 5 : i32
      %get3A_522 = arith.index_cast %scan3A_80 : i32 to index
      %get3A_523 = arith.index_cast %get3A_521 : i32 to index
      %get3A_524 = arith.constant 0 : index
      %get3A_525 = tpu.vector_load %arg6[%get3A_522, %get3A_523, %get3A_524] {strides = array<i32>} : memref<16x8x64xf32, #tpu.memory_space<vmem>>, vector<16xf32>,
      %abs3A_526 = math.absf %get3A_525 : vector<16xf32>
      %gt3A_527 = arith.constant 0.000000e+00 : f32
      %gt3A_528 = vector.broadcast %gt3A_527 : f32 to vector<16xf32>
      %gt3A_529 = arith.cmpf ogt, %abs3A_526, %gt3A_528 : vector<16xf32>
      %jit3A_530 = arith.constant 1.000000e+00 : f32
      %jit3A_531 = arith.constant 0.000000e+00 : f32
      %broadcast_in_dim3A_532 = vector.broadcast %jit3A_530 : f32 to vector<16xf32>
      %broadcast_in_dim3A_533 = vector.broadcast %jit3A_531 : f32 to vector<16xf32>
      %select_n3A_534 = arith.select %gt3A_529, %broadcast_in_dim3A_532, %broadcast_in_dim3A_533 : vector<16xi1>, vector<16xf32>
      %add3A_535 = arith.addf %add3A_448, %select_n3A_534 : vector<16xf32>
      %mul3A_536 = vector.broadcast %squeeze3A_518 : f32 to vector<16xf32>
      %mul3A_537 = arith.mulf %get3A_525, %mul3A_536 : vector<16xf32>
      %add3A_538 = arith.addf %add3A_451, %mul3A_537 : vector<16xf32>
      %all_reduce_population_count3A_539 = tpu.all_reduce %gt3A_529 {dim = 0 : i64, kind = #tpu.reduction_kind<sum>} : vector<16xi1> -> vector<16xi32>
      %add3A_540 = arith.addi %broadcast_in_dim3A_520, %all_reduce_population_count3A_539 : vector<16xi32>
      %get3A_541 = arith.constant 5 : i32
      %get3A_542 = arith.index_cast %scan3A_80 : i32 to index
      %get3A_543 = arith.index_cast %get3A_541 : i32 to index
      %get3A_544 = arith.constant 16 : index
      %get3A_545 = tpu.vector_load %arg6[%get3A_542, %get3A_543, %get3A_544] {strides = array<i32>} : memref<16x8x64xf32, #tpu.memory_space<vmem>>, vector<16xf32>,
      %abs3A_546 = math.absf %get3A_545 : vector<16xf32>
      %gt3A_547 = arith.constant 0.000000e+00 : f32
      %gt3A_548 = vector.broadcast %gt3A_547 : f32 to vector<16xf32>
      %gt3A_549 = arith.cmpf ogt, %abs3A_546, %gt3A_548 : vector<16xf32>
      %jit3A_550 = arith.constant 1.000000e+00 : f32
      %jit3A_551 = arith.constant 0.000000e+00 : f32
      %broadcast_in_dim3A_552 = vector.broadcast %jit3A_550 : f32 to vector<16xf32>
      %broadcast_in_dim3A_553 = vector.broadcast %jit3A_551 : f32 to vector<16xf32>
      %select_n3A_554 = arith.select %gt3A_549, %broadcast_in_dim3A_552, %broadcast_in_dim3A_553 : vector<16xi1>, vector<16xf32>
      %add3A_555 = arith.addf %add3A_468, %select_n3A_554 : vector<16xf32>
      %mul3A_556 = vector.broadcast %squeeze3A_518 : f32 to vector<16xf32>
      %mul3A_557 = arith.mulf %get3A_545, %mul3A_556 : vector<16xf32>
      %add3A_558 = arith.addf %add3A_471, %mul3A_557 : vector<16xf32>
      %all_reduce_population_count3A_559 = tpu.all_reduce %gt3A_549 {dim = 0 : i64, kind = #tpu.reduction_kind<sum>} : vector<16xi1> -> vector<16xi32>
      %add3A_560 = arith.addi %add3A_540, %all_reduce_population_count3A_559 : vector<16xi32>
      %get3A_561 = arith.constant 5 : i32
      %get3A_562 = arith.index_cast %scan3A_80 : i32 to index
      %get3A_563 = arith.index_cast %get3A_561 : i32 to index
      %get3A_564 = arith.constant 32 : index
      %get3A_565 = tpu.vector_load %arg6[%get3A_562, %get3A_563, %get3A_564] {strides = array<i32>} : memref<16x8x64xf32, #tpu.memory_space<vmem>>, vector<16xf32>,
      %abs3A_566 = math.absf %get3A_565 : vector<16xf32>
      %gt3A_567 = arith.constant 0.000000e+00 : f32
      %gt3A_568 = vector.broadcast %gt3A_567 : f32 to vector<16xf32>
      %gt3A_569 = arith.cmpf ogt, %abs3A_566, %gt3A_568 : vector<16xf32>
      %jit3A_570 = arith.constant 1.000000e+00 : f32
      %jit3A_571 = arith.constant 0.000000e+00 : f32
      %broadcast_in_dim3A_572 = vector.broadcast %jit3A_570 : f32 to vector<16xf32>
      %broadcast_in_dim3A_573 = vector.broadcast %jit3A_571 : f32 to vector<16xf32>
      %select_n3A_574 = arith.select %gt3A_569, %broadcast_in_dim3A_572, %broadcast_in_dim3A_573 : vector<16xi1>, vector<16xf32>
      %add3A_575 = arith.addf %add3A_488, %select_n3A_574 : vector<16xf32>
      %mul3A_576 = vector.broadcast %squeeze3A_518 : f32 to vector<16xf32>
      %mul3A_577 = arith.mulf %get3A_565, %mul3A_576 : vector<16xf32>
      %add3A_578 = arith.addf %add3A_491, %mul3A_577 : vector<16xf32>
      %all_reduce_population_count3A_579 = tpu.all_reduce %gt3A_569 {dim = 0 : i64, kind = #tpu.reduction_kind<sum>} : vector<16xi1> -> vector<16xi32>
      %add3A_580 = arith.addi %add3A_560, %all_reduce_population_count3A_579 : vector<16xi32>
      %get3A_581 = arith.constant 5 : i32
      %get3A_582 = arith.index_cast %scan3A_80 : i32 to index
      %get3A_583 = arith.index_cast %get3A_581 : i32 to index
      %get3A_584 = arith.constant 48 : index
      %get3A_585 = tpu.vector_load %arg6[%get3A_582, %get3A_583, %get3A_584] {strides = array<i32>} : memref<16x8x64xf32, #tpu.memory_space<vmem>>, vector<16xf32>,
      %abs3A_586 = math.absf %get3A_585 : vector<16xf32>
      %gt3A_587 = arith.constant 0.000000e+00 : f32
      %gt3A_588 = vector.broadcast %gt3A_587 : f32 to vector<16xf32>
      %gt3A_589 = arith.cmpf ogt, %abs3A_586, %gt3A_588 : vector<16xf32>
      %jit3A_590 = arith.constant 1.000000e+00 : f32
      %jit3A_591 = arith.constant 0.000000e+00 : f32
      %broadcast_in_dim3A_592 = vector.broadcast %jit3A_590 : f32 to vector<16xf32>
      %broadcast_in_dim3A_593 = vector.broadcast %jit3A_591 : f32 to vector<16xf32>
      %select_n3A_594 = arith.select %gt3A_589, %broadcast_in_dim3A_592, %broadcast_in_dim3A_593 : vector<16xi1>, vector<16xf32>
      %add3A_595 = arith.addf %add3A_508, %select_n3A_594 : vector<16xf32>
      %mul3A_596 = vector.broadcast %squeeze3A_518 : f32 to vector<16xf32>
      %mul3A_597 = arith.mulf %get3A_585, %mul3A_596 : vector<16xf32>
      %add3A_598 = arith.addf %add3A_511, %mul3A_597 : vector<16xf32>
      %all_reduce_population_count3A_599 = tpu.all_reduce %gt3A_589 {dim = 0 : i64, kind = #tpu.reduction_kind<sum>} : vector<16xi1> -> vector<16xi32>
      %add3A_600 = arith.addi %add3A_580, %all_reduce_population_count3A_599 : vector<16xi32>
      %convert_element_type3A_601 = arith.sitofp %add3A_600 : vector<16xi32> to vector<16xf32>
      %mul3A_602 = arith.mulf %convert_element_type3A_601, %convert_element_type3A_64 : vector<16xf32>
      %add3A_603 = arith.addf %add3A_516, %mul3A_602 : vector<16xf32>
      %slice3A_604 = vector.extract_strided_slice %get3A_33 {offsets = [6], sizes = [1], strides = [1]} : vector<16xf32> to vector<1xf32>
      %squeeze3A_605 = vector.extract %slice3A_604[0] : f32 from vector<1xf32>
      %broadcast_in_dim3A_606 = arith.constant 0 : i32
      %broadcast_in_dim3A_607 = vector.broadcast %broadcast_in_dim3A_606 : i32 to vector<16xi32>
      %get3A_608 = arith.constant 6 : i32
      %get3A_609 = arith.index_cast %scan3A_80 : i32 to index
      %get3A_610 = arith.index_cast %get3A_608 : i32 to index
      %get3A_611 = arith.constant 0 : index
      %get3A_612 = tpu.vector_load %arg6[%get3A_609, %get3A_610, %get3A_611] {strides = array<i32>} : memref<16x8x64xf32, #tpu.memory_space<vmem>>, vector<16xf32>,
      %abs3A_613 = math.absf %get3A_612 : vector<16xf32>
      %gt3A_614 = arith.constant 0.000000e+00 : f32
      %gt3A_615 = vector.broadcast %gt3A_614 : f32 to vector<16xf32>
      %gt3A_616 = arith.cmpf ogt, %abs3A_613, %gt3A_615 : vector<16xf32>
      %jit3A_617 = arith.constant 1.000000e+00 : f32
      %jit3A_618 = arith.constant 0.000000e+00 : f32
      %broadcast_in_dim3A_619 = vector.broadcast %jit3A_617 : f32 to vector<16xf32>
      %broadcast_in_dim3A_620 = vector.broadcast %jit3A_618 : f32 to vector<16xf32>
      %select_n3A_621 = arith.select %gt3A_616, %broadcast_in_dim3A_619, %broadcast_in_dim3A_620 : vector<16xi1>, vector<16xf32>
      %add3A_622 = arith.addf %add3A_535, %select_n3A_621 : vector<16xf32>
      %mul3A_623 = vector.broadcast %squeeze3A_605 : f32 to vector<16xf32>
      %mul3A_624 = arith.mulf %get3A_612, %mul3A_623 : vector<16xf32>
      %add3A_625 = arith.addf %add3A_538, %mul3A_624 : vector<16xf32>
      %all_reduce_population_count3A_626 = tpu.all_reduce %gt3A_616 {dim = 0 : i64, kind = #tpu.reduction_kind<sum>} : vector<16xi1> -> vector<16xi32>
      %add3A_627 = arith.addi %broadcast_in_dim3A_607, %all_reduce_population_count3A_626 : vector<16xi32>
      %get3A_628 = arith.constant 6 : i32
      %get3A_629 = arith.index_cast %scan3A_80 : i32 to index
      %get3A_630 = arith.index_cast %get3A_628 : i32 to index
      %get3A_631 = arith.constant 16 : index
      %get3A_632 = tpu.vector_load %arg6[%get3A_629, %get3A_630, %get3A_631] {strides = array<i32>} : memref<16x8x64xf32, #tpu.memory_space<vmem>>, vector<16xf32>,
      %abs3A_633 = math.absf %get3A_632 : vector<16xf32>
      %gt3A_634 = arith.constant 0.000000e+00 : f32
      %gt3A_635 = vector.broadcast %gt3A_634 : f32 to vector<16xf32>
      %gt3A_636 = arith.cmpf ogt, %abs3A_633, %gt3A_635 : vector<16xf32>
      %jit3A_637 = arith.constant 1.000000e+00 : f32
      %jit3A_638 = arith.constant 0.000000e+00 : f32
      %broadcast_in_dim3A_639 = vector.broadcast %jit3A_637 : f32 to vector<16xf32>
      %broadcast_in_dim3A_640 = vector.broadcast %jit3A_638 : f32 to vector<16xf32>
      %select_n3A_641 = arith.select %gt3A_636, %broadcast_in_dim3A_639, %broadcast_in_dim3A_640 : vector<16xi1>, vector<16xf32>
      %add3A_642 = arith.addf %add3A_555, %select_n3A_641 : vector<16xf32>
      %mul3A_643 = vector.broadcast %squeeze3A_605 : f32 to vector<16xf32>
      %mul3A_644 = arith.mulf %get3A_632, %mul3A_643 : vector<16xf32>
      %add3A_645 = arith.addf %add3A_558, %mul3A_644 : vector<16xf32>
      %all_reduce_population_count3A_646 = tpu.all_reduce %gt3A_636 {dim = 0 : i64, kind = #tpu.reduction_kind<sum>} : vector<16xi1> -> vector<16xi32>
      %add3A_647 = arith.addi %add3A_627, %all_reduce_population_count3A_646 : vector<16xi32>
      %get3A_648 = arith.constant 6 : i32
      %get3A_649 = arith.index_cast %scan3A_80 : i32 to index
      %get3A_650 = arith.index_cast %get3A_648 : i32 to index
      %get3A_651 = arith.constant 32 : index
      %get3A_652 = tpu.vector_load %arg6[%get3A_649, %get3A_650, %get3A_651] {strides = array<i32>} : memref<16x8x64xf32, #tpu.memory_space<vmem>>, vector<16xf32>,
      %abs3A_653 = math.absf %get3A_652 : vector<16xf32>
      %gt3A_654 = arith.constant 0.000000e+00 : f32
      %gt3A_655 = vector.broadcast %gt3A_654 : f32 to vector<16xf32>
      %gt3A_656 = arith.cmpf ogt, %abs3A_653, %gt3A_655 : vector<16xf32>
      %jit3A_657 = arith.constant 1.000000e+00 : f32
      %jit3A_658 = arith.constant 0.000000e+00 : f32
      %broadcast_in_dim3A_659 = vector.broadcast %jit3A_657 : f32 to vector<16xf32>
      %broadcast_in_dim3A_660 = vector.broadcast %jit3A_658 : f32 to vector<16xf32>
      %select_n3A_661 = arith.select %gt3A_656, %broadcast_in_dim3A_659, %broadcast_in_dim3A_660 : vector<16xi1>, vector<16xf32>
      %add3A_662 = arith.addf %add3A_575, %select_n3A_661 : vector<16xf32>
      %mul3A_663 = vector.broadcast %squeeze3A_605 : f32 to vector<16xf32>
      %mul3A_664 = arith.mulf %get3A_652, %mul3A_663 : vector<16xf32>
      %add3A_665 = arith.addf %add3A_578, %mul3A_664 : vector<16xf32>
      %all_reduce_population_count3A_666 = tpu.all_reduce %gt3A_656 {dim = 0 : i64, kind = #tpu.reduction_kind<sum>} : vector<16xi1> -> vector<16xi32>
      %add3A_667 = arith.addi %add3A_647, %all_reduce_population_count3A_666 : vector<16xi32>
      %get3A_668 = arith.constant 6 : i32
      %get3A_669 = arith.index_cast %scan3A_80 : i32 to index
      %get3A_670 = arith.index_cast %get3A_668 : i32 to index
      %get3A_671 = arith.constant 48 : index
      %get3A_672 = tpu.vector_load %arg6[%get3A_669, %get3A_670, %get3A_671] {strides = array<i32>} : memref<16x8x64xf32, #tpu.memory_space<vmem>>, vector<16xf32>,
      %abs3A_673 = math.absf %get3A_672 : vector<16xf32>
      %gt3A_674 = arith.constant 0.000000e+00 : f32
      %gt3A_675 = vector.broadcast %gt3A_674 : f32 to vector<16xf32>
      %gt3A_676 = arith.cmpf ogt, %abs3A_673, %gt3A_675 : vector<16xf32>
      %jit3A_677 = arith.constant 1.000000e+00 : f32
      %jit3A_678 = arith.constant 0.000000e+00 : f32
      %broadcast_in_dim3A_679 = vector.broadcast %jit3A_677 : f32 to vector<16xf32>
      %broadcast_in_dim3A_680 = vector.broadcast %jit3A_678 : f32 to vector<16xf32>
      %select_n3A_681 = arith.select %gt3A_676, %broadcast_in_dim3A_679, %broadcast_in_dim3A_680 : vector<16xi1>, vector<16xf32>
      %add3A_682 = arith.addf %add3A_595, %select_n3A_681 : vector<16xf32>
      %mul3A_683 = vector.broadcast %squeeze3A_605 : f32 to vector<16xf32>
      %mul3A_684 = arith.mulf %get3A_672, %mul3A_683 : vector<16xf32>
      %add3A_685 = arith.addf %add3A_598, %mul3A_684 : vector<16xf32>
      %all_reduce_population_count3A_686 = tpu.all_reduce %gt3A_676 {dim = 0 : i64, kind = #tpu.reduction_kind<sum>} : vector<16xi1> -> vector<16xi32>
      %add3A_687 = arith.addi %add3A_667, %all_reduce_population_count3A_686 : vector<16xi32>
      %convert_element_type3A_688 = arith.sitofp %add3A_687 : vector<16xi32> to vector<16xf32>
      %mul3A_689 = arith.mulf %convert_element_type3A_688, %convert_element_type3A_69 : vector<16xf32>
      %add3A_690 = arith.addf %add3A_603, %mul3A_689 : vector<16xf32>
      %slice3A_691 = vector.extract_strided_slice %get3A_33 {offsets = [7], sizes = [1], strides = [1]} : vector<16xf32> to vector<1xf32>
      %squeeze3A_692 = vector.extract %slice3A_691[0] : f32 from vector<1xf32>
      %broadcast_in_dim3A_693 = arith.constant 0 : i32
      %broadcast_in_dim3A_694 = vector.broadcast %broadcast_in_dim3A_693 : i32 to vector<16xi32>
      %get3A_695 = arith.constant 7 : i32
      %get3A_696 = arith.index_cast %scan3A_80 : i32 to index
      %get3A_697 = arith.index_cast %get3A_695 : i32 to index
      %get3A_698 = arith.constant 0 : index
      %get3A_699 = tpu.vector_load %arg6[%get3A_696, %get3A_697, %get3A_698] {strides = array<i32>} : memref<16x8x64xf32, #tpu.memory_space<vmem>>, vector<16xf32>,
      %abs3A_700 = math.absf %get3A_699 : vector<16xf32>
      %gt3A_701 = arith.constant 0.000000e+00 : f32
      %gt3A_702 = vector.broadcast %gt3A_701 : f32 to vector<16xf32>
      %gt3A_703 = arith.cmpf ogt, %abs3A_700, %gt3A_702 : vector<16xf32>
      %jit3A_704 = arith.constant 1.000000e+00 : f32
      %jit3A_705 = arith.constant 0.000000e+00 : f32
      %broadcast_in_dim3A_706 = vector.broadcast %jit3A_704 : f32 to vector<16xf32>
      %broadcast_in_dim3A_707 = vector.broadcast %jit3A_705 : f32 to vector<16xf32>
      %select_n3A_708 = arith.select %gt3A_703, %broadcast_in_dim3A_706, %broadcast_in_dim3A_707 : vector<16xi1>, vector<16xf32>
      %add3A_709 = arith.addf %add3A_622, %select_n3A_708 : vector<16xf32>
      %mul3A_710 = vector.broadcast %squeeze3A_692 : f32 to vector<16xf32>
      %mul3A_711 = arith.mulf %get3A_699, %mul3A_710 : vector<16xf32>
      %add3A_712 = arith.addf %add3A_625, %mul3A_711 : vector<16xf32>
      %all_reduce_population_count3A_713 = tpu.all_reduce %gt3A_703 {dim = 0 : i64, kind = #tpu.reduction_kind<sum>} : vector<16xi1> -> vector<16xi32>
      %add3A_714 = arith.addi %broadcast_in_dim3A_694, %all_reduce_population_count3A_713 : vector<16xi32>
      %get3A_715 = arith.constant 7 : i32
      %get3A_716 = arith.index_cast %scan3A_80 : i32 to index
      %get3A_717 = arith.index_cast %get3A_715 : i32 to index
      %get3A_718 = arith.constant 16 : index
      %get3A_719 = tpu.vector_load %arg6[%get3A_716, %get3A_717, %get3A_718] {strides = array<i32>} : memref<16x8x64xf32, #tpu.memory_space<vmem>>, vector<16xf32>,
      %abs3A_720 = math.absf %get3A_719 : vector<16xf32>
      %gt3A_721 = arith.constant 0.000000e+00 : f32
      %gt3A_722 = vector.broadcast %gt3A_721 : f32 to vector<16xf32>
      %gt3A_723 = arith.cmpf ogt, %abs3A_720, %gt3A_722 : vector<16xf32>
      %jit3A_724 = arith.constant 1.000000e+00 : f32
      %jit3A_725 = arith.constant 0.000000e+00 : f32
      %broadcast_in_dim3A_726 = vector.broadcast %jit3A_724 : f32 to vector<16xf32>
      %broadcast_in_dim3A_727 = vector.broadcast %jit3A_725 : f32 to vector<16xf32>
      %select_n3A_728 = arith.select %gt3A_723, %broadcast_in_dim3A_726, %broadcast_in_dim3A_727 : vector<16xi1>, vector<16xf32>
      %add3A_729 = arith.addf %add3A_642, %select_n3A_728 : vector<16xf32>
      %mul3A_730 = vector.broadcast %squeeze3A_692 : f32 to vector<16xf32>
      %mul3A_731 = arith.mulf %get3A_719, %mul3A_730 : vector<16xf32>
      %add3A_732 = arith.addf %add3A_645, %mul3A_731 : vector<16xf32>
      %all_reduce_population_count3A_733 = tpu.all_reduce %gt3A_723 {dim = 0 : i64, kind = #tpu.reduction_kind<sum>} : vector<16xi1> -> vector<16xi32>
      %add3A_734 = arith.addi %add3A_714, %all_reduce_population_count3A_733 : vector<16xi32>
      %get3A_735 = arith.constant 7 : i32
      %get3A_736 = arith.index_cast %scan3A_80 : i32 to index
      %get3A_737 = arith.index_cast %get3A_735 : i32 to index
      %get3A_738 = arith.constant 32 : index
      %get3A_739 = tpu.vector_load %arg6[%get3A_736, %get3A_737, %get3A_738] {strides = array<i32>} : memref<16x8x64xf32, #tpu.memory_space<vmem>>, vector<16xf32>,
      %abs3A_740 = math.absf %get3A_739 : vector<16xf32>
      %gt3A_741 = arith.constant 0.000000e+00 : f32
      %gt3A_742 = vector.broadcast %gt3A_741 : f32 to vector<16xf32>
      %gt3A_743 = arith.cmpf ogt, %abs3A_740, %gt3A_742 : vector<16xf32>
      %jit3A_744 = arith.constant 1.000000e+00 : f32
      %jit3A_745 = arith.constant 0.000000e+00 : f32
      %broadcast_in_dim3A_746 = vector.broadcast %jit3A_744 : f32 to vector<16xf32>
      %broadcast_in_dim3A_747 = vector.broadcast %jit3A_745 : f32 to vector<16xf32>
      %select_n3A_748 = arith.select %gt3A_743, %broadcast_in_dim3A_746, %broadcast_in_dim3A_747 : vector<16xi1>, vector<16xf32>
      %add3A_749 = arith.addf %add3A_662, %select_n3A_748 : vector<16xf32>
      %mul3A_750 = vector.broadcast %squeeze3A_692 : f32 to vector<16xf32>
      %mul3A_751 = arith.mulf %get3A_739, %mul3A_750 : vector<16xf32>
      %add3A_752 = arith.addf %add3A_665, %mul3A_751 : vector<16xf32>
      %all_reduce_population_count3A_753 = tpu.all_reduce %gt3A_743 {dim = 0 : i64, kind = #tpu.reduction_kind<sum>} : vector<16xi1> -> vector<16xi32>
      %add3A_754 = arith.addi %add3A_734, %all_reduce_population_count3A_753 : vector<16xi32>
      %get3A_755 = arith.constant 7 : i32
      %get3A_756 = arith.index_cast %scan3A_80 : i32 to index
      %get3A_757 = arith.index_cast %get3A_755 : i32 to index
      %get3A_758 = arith.constant 48 : index
      %get3A_759 = tpu.vector_load %arg6[%get3A_756, %get3A_757, %get3A_758] {strides = array<i32>} : memref<16x8x64xf32, #tpu.memory_space<vmem>>, vector<16xf32>,
      %abs3A_760 = math.absf %get3A_759 : vector<16xf32>
      %gt3A_761 = arith.constant 0.000000e+00 : f32
      %gt3A_762 = vector.broadcast %gt3A_761 : f32 to vector<16xf32>
      %gt3A_763 = arith.cmpf ogt, %abs3A_760, %gt3A_762 : vector<16xf32>
      %jit3A_764 = arith.constant 1.000000e+00 : f32
      %jit3A_765 = arith.constant 0.000000e+00 : f32
      %broadcast_in_dim3A_766 = vector.broadcast %jit3A_764 : f32 to vector<16xf32>
      %broadcast_in_dim3A_767 = vector.broadcast %jit3A_765 : f32 to vector<16xf32>
      %select_n3A_768 = arith.select %gt3A_763, %broadcast_in_dim3A_766, %broadcast_in_dim3A_767 : vector<16xi1>, vector<16xf32>
      %add3A_769 = arith.addf %add3A_682, %select_n3A_768 : vector<16xf32>
      %mul3A_770 = vector.broadcast %squeeze3A_692 : f32 to vector<16xf32>
      %mul3A_771 = arith.mulf %get3A_759, %mul3A_770 : vector<16xf32>
      %add3A_772 = arith.addf %add3A_685, %mul3A_771 : vector<16xf32>
      %all_reduce_population_count3A_773 = tpu.all_reduce %gt3A_763 {dim = 0 : i64, kind = #tpu.reduction_kind<sum>} : vector<16xi1> -> vector<16xi32>
      %add3A_774 = arith.addi %add3A_754, %all_reduce_population_count3A_773 : vector<16xi32>
      %convert_element_type3A_775 = arith.sitofp %add3A_774 : vector<16xi32> to vector<16xf32>
      %mul3A_776 = arith.mulf %convert_element_type3A_775, %convert_element_type3A_74 : vector<16xf32>
      %add3A_777 = arith.addf %add3A_690, %mul3A_776 : vector<16xf32>
      %add3A_778 = arith.addf %add3A_709, %add3A_777 : vector<16xf32>
      %mul3A_779 = arith.mulf %add3A_778, %convert_element_type3A_86 : vector<16xf32>
      %exp3A = math.exp %add3A_712 : vector<16xf32>
      %mul3A_780 = arith.mulf %mul3A_779, %exp3A : vector<16xf32>
      %swap3A = arith.index_cast %scan3A_80 : i32 to index
      %swap3A_781 = arith.constant 0 : index
      %swap3A_782 = tpu.vector_load %arg7[%swap3A, %swap3A_781] {strides = array<i32>} : memref<16x128xf32, #tpu.memory_space<vmem>>, vector<16xf32>,
      tpu.vector_store %arg7[%swap3A, %swap3A_781], %mul3A_780 {strides = array<i32>} : memref<16x128xf32, #tpu.memory_space<vmem>>, vector<16xf32>,
      %mul3A_783 = arith.mulf %add3A_729, %convert_element_type3A_86 : vector<16xf32>
      %exp3A_784 = math.exp %add3A_732 : vector<16xf32>
      %mul3A_785 = arith.mulf %mul3A_783, %exp3A_784 : vector<16xf32>
      %swap3A_786 = arith.index_cast %scan3A_80 : i32 to index
      %swap3A_787 = arith.constant 16 : index
      %swap3A_788 = tpu.vector_load %arg7[%swap3A_786, %swap3A_787] {strides = array<i32>} : memref<16x128xf32, #tpu.memory_space<vmem>>, vector<16xf32>,
      tpu.vector_store %arg7[%swap3A_786, %swap3A_787], %mul3A_785 {strides = array<i32>} : memref<16x128xf32, #tpu.memory_space<vmem>>, vector<16xf32>,
      %mul3A_789 = arith.mulf %add3A_749, %convert_element_type3A_86 : vector<16xf32>
      %exp3A_790 = math.exp %add3A_752 : vector<16xf32>
      %mul3A_791 = arith.mulf %mul3A_789, %exp3A_790 : vector<16xf32>
      %swap3A_792 = arith.index_cast %scan3A_80 : i32 to index
      %swap3A_793 = arith.constant 32 : index
      %swap3A_794 = tpu.vector_load %arg7[%swap3A_792, %swap3A_793] {strides = array<i32>} : memref<16x128xf32, #tpu.memory_space<vmem>>, vector<16xf32>,
      tpu.vector_store %arg7[%swap3A_792, %swap3A_793], %mul3A_791 {strides = array<i32>} : memref<16x128xf32, #tpu.memory_space<vmem>>, vector<16xf32>,
      %mul3A_795 = arith.mulf %add3A_769, %convert_element_type3A_86 : vector<16xf32>
      %exp3A_796 = math.exp %add3A_772 : vector<16xf32>
      %mul3A_797 = arith.mulf %mul3A_795, %exp3A_796 : vector<16xf32>
      %swap3A_798 = arith.index_cast %scan3A_80 : i32 to index
      %swap3A_799 = arith.constant 48 : index
      %swap3A_800 = tpu.vector_load %arg7[%swap3A_798, %swap3A_799] {strides = array<i32>} : memref<16x128xf32, #tpu.memory_space<vmem>>, vector<16xf32>,
      tpu.vector_store %arg7[%swap3A_798, %swap3A_799], %mul3A_797 {strides = array<i32>} : memref<16x128xf32, #tpu.memory_space<vmem>>, vector<16xf32>,
      %swap3A_801 = arith.index_cast %scan3A_80 : i32 to index
      %swap3A_802 = arith.constant 64 : index
      %swap3A_803 = tpu.vector_load %arg7[%swap3A_801, %swap3A_802] {strides = array<i32>} : memref<16x128xf32, #tpu.memory_space<vmem>>, vector<16xf32>,
      tpu.vector_store %arg7[%swap3A_801, %swap3A_802], %broadcast_in_dim3A_34 {strides = array<i32>} : memref<16x128xf32, #tpu.memory_space<vmem>>, vector<16xf32>,
      %swap3A_804 = arith.index_cast %scan3A_80 : i32 to index
      %swap3A_805 = arith.constant 80 : index
      %swap3A_806 = tpu.vector_load %arg7[%swap3A_804, %swap3A_805] {strides = array<i32>} : memref<16x128xf32, #tpu.memory_space<vmem>>, vector<16xf32>,
      tpu.vector_store %arg7[%swap3A_804, %swap3A_805], %broadcast_in_dim3A_34 {strides = array<i32>} : memref<16x128xf32, #tpu.memory_space<vmem>>, vector<16xf32>,
      %swap3A_807 = arith.index_cast %scan3A_80 : i32 to index
      %swap3A_808 = arith.constant 96 : index
      %swap3A_809 = tpu.vector_load %arg7[%swap3A_807, %swap3A_808] {strides = array<i32>} : memref<16x128xf32, #tpu.memory_space<vmem>>, vector<16xf32>,
      tpu.vector_store %arg7[%swap3A_807, %swap3A_808], %broadcast_in_dim3A_34 {strides = array<i32>} : memref<16x128xf32, #tpu.memory_space<vmem>>, vector<16xf32>,
      %swap3A_810 = arith.index_cast %scan3A_80 : i32 to index
      %swap3A_811 = arith.constant 112 : index
      %swap3A_812 = tpu.vector_load %arg7[%swap3A_810, %swap3A_811] {strides = array<i32>} : memref<16x128xf32, #tpu.memory_space<vmem>>, vector<16xf32>,
      tpu.vector_store %arg7[%swap3A_810, %swap3A_811], %broadcast_in_dim3A_34 {strides = array<i32>} : memref<16x128xf32, #tpu.memory_space<vmem>>, vector<16xf32>,
    }
    %scan3A_79 = arith.constant 16 : i32
    "tpu.region"() ({
      %run_scoped3A_80 = tpu.sem_alloc : memref<!tpu.dma_semaphore, #tpu.memory_space<semaphore_mem>>
      %dma_start3A = arith.constant 0 : i32
      %dma_start3A_81 = tpu.memref_slice %arg5[%select_n3A, %mul3A_32, %dma_start3A] : memref<8x64x128xf32, #tpu.memory_space<hbm>> -> memref<1x16x128xf32, #tpu.memory_space<hbm>>
      %dma_start3A_82 = tpu.memref_squeeze %dma_start3A_81 : memref<1x16x128xf32, #tpu.memory_space<hbm>> -> memref<16x128xf32, #tpu.memory_space<hbm>>
      %dma_start3A_83 = arith.constant 0 : i32
      %dma_start3A_84 = tpu.memref_slice %arg5[%select_n3A, %mul3A_32, %dma_start3A_83] : memref<8x64x128xf32, #tpu.memory_space<hbm>> -> memref<1x16x128xf32, #tpu.memory_space<hbm>>
      %dma_start3A_85 = tpu.memref_squeeze %dma_start3A_84 : memref<1x16x128xf32, #tpu.memory_space<hbm>> -> memref<16x128xf32, #tpu.memory_space<hbm>>
      tpu.enqueue_dma source(%arg7 : memref<16x128xf32, #tpu.memory_space<vmem>>) target(%dma_start3A_85 : memref<16x128xf32, #tpu.memory_space<hbm>>) target_semaphore(%run_scoped3A_80 : memref<!tpu.dma_semaphore, #tpu.memory_space<semaphore_mem>>)
      %dma_wait3A = arith.constant 0 : i32
      %dma_wait3A_86 = tpu.memref_slice %arg5[%select_n3A, %mul3A_32, %dma_wait3A] : memref<8x64x128xf32, #tpu.memory_space<hbm>> -> memref<1x16x128xf32, #tpu.memory_space<hbm>>
      %dma_wait3A_87 = tpu.memref_squeeze %dma_wait3A_86 : memref<1x16x128xf32, #tpu.memory_space<hbm>> -> memref<16x128xf32, #tpu.memory_space<hbm>>
      %dma_wait3A_88 = arith.constant 0 : i32
      %dma_wait3A_89 = tpu.memref_slice %arg5[%select_n3A, %mul3A_32, %dma_wait3A_88] : memref<8x64x128xf32, #tpu.memory_space<hbm>> -> memref<1x16x128xf32, #tpu.memory_space<hbm>>
      %dma_wait3A_90 = tpu.memref_squeeze %dma_wait3A_89 : memref<1x16x128xf32, #tpu.memory_space<hbm>> -> memref<16x128xf32, #tpu.memory_space<hbm>>
      tpu.wait_dma2 semaphore(%run_scoped3A_80 : memref<!tpu.dma_semaphore, #tpu.memory_space<semaphore_mem>>) src(%arg7 : memref<16x128xf32, #tpu.memory_space<vmem>>) dst(%dma_wait3A_90 : memref<16x128xf32, #tpu.memory_space<hbm>>)
      tpu.yield
    }) : () -> ()
    return
  }
}

module attributes {stable_mosaic.version = 14 : i64} {
  func.func @_tc_body(%arg0: memref<8x64x128xf32, #tpu.memory_space<vmem>>, %arg1: memref<8x64x128xf32, #tpu.memory_space<vmem>>, %arg2: memref<1x264xf32, #tpu.memory_space<vmem>>, %arg3: memref<8x64x128xf32, #tpu.memory_space<vmem>>) attributes {dimension_semantics = [], scalar_prefetch = 0 : i64, scratch_operands = 0 : i64, tpu.core_type = #tpu.core_type<tc>} {
    %get3A = arith.constant 0 : index
    %get3A_0 = arith.constant 0 : index
    %get3A_1 = vector.load %arg2[%get3A, %get3A_0] : memref<1x264xf32, #tpu.memory_space<vmem>>, vector<1x128xf32>
    %get3A_2 = arith.constant 0 : index
    %get3A_3 = arith.constant 0 : index
    %get3A_4 = arith.constant 0 : index
    %get3A_5 = vector.load %arg0[%get3A_2, %get3A_3, %get3A_4] : memref<8x64x128xf32, #tpu.memory_space<vmem>>, vector<8x64x128xf32>
    %reshape3A = vector.shape_cast %get3A_5 : vector<8x64x128xf32> to vector<512x128xf32>
    %dot_general3A = arith.constant dense<0.000000e+00> : vector<1x512xf32>
    %dot_general3A_6 = tpu.matmul %get3A_1, %reshape3A, %dot_general3A {dimension_numbers = #tpu.dot_dimension_numbers<[1], [1], [0], [0], [0, 0, 1, 0], [], []>, precision = #tpu.contract_precision<fp32>, transpose_lhs_hint = false} : vector<1x128xf32>, vector<512x128xf32>, vector<1x512xf32> -> vector<1x512xf32>
    %exp3A = math.exp %dot_general3A_6 : vector<1x512xf32>
    %get3A_7 = arith.constant 0 : index
    %get3A_8 = arith.constant 0 : index
    %get3A_9 = arith.constant 0 : index
    %get3A_10 = vector.load %arg1[%get3A_7, %get3A_8, %get3A_9] : memref<8x64x128xf32, #tpu.memory_space<vmem>>, vector<1x64x128xf32>
    %get3A_11 = vector.shape_cast %get3A_10 : vector<1x64x128xf32> to vector<64x128xf32>
    %slice3A = vector.extract_strided_slice %get3A_11 {offsets = [0, 0], sizes = [64, 64], strides = [1, 1]} : vector<64x128xf32> to vector<64x64xf32>
    %slice3A_12 = vector.extract_strided_slice %exp3A {offsets = [0, 0], sizes = [1, 64], strides = [1, 1]} : vector<1x512xf32> to vector<1x64xf32>
    %mul3A = vector.broadcast %slice3A_12 : vector<1x64xf32> to vector<64x64xf32>
    %mul3A_13 = arith.mulf %slice3A, %mul3A : vector<64x64xf32>
    %get3A_14 = arith.constant 1 : index
    %get3A_15 = arith.constant 0 : index
    %get3A_16 = arith.constant 0 : index
    %get3A_17 = vector.load %arg1[%get3A_14, %get3A_15, %get3A_16] : memref<8x64x128xf32, #tpu.memory_space<vmem>>, vector<1x64x128xf32>
    %get3A_18 = vector.shape_cast %get3A_17 : vector<1x64x128xf32> to vector<64x128xf32>
    %slice3A_19 = vector.extract_strided_slice %get3A_18 {offsets = [0, 0], sizes = [64, 64], strides = [1, 1]} : vector<64x128xf32> to vector<64x64xf32>
    %slice3A_20 = vector.extract_strided_slice %exp3A {offsets = [0, 64], sizes = [1, 64], strides = [1, 1]} : vector<1x512xf32> to vector<1x64xf32>
    %mul3A_21 = vector.broadcast %slice3A_20 : vector<1x64xf32> to vector<64x64xf32>
    %mul3A_22 = arith.mulf %slice3A_19, %mul3A_21 : vector<64x64xf32>
    %get3A_23 = arith.constant 2 : index
    %get3A_24 = arith.constant 0 : index
    %get3A_25 = arith.constant 0 : index
    %get3A_26 = vector.load %arg1[%get3A_23, %get3A_24, %get3A_25] : memref<8x64x128xf32, #tpu.memory_space<vmem>>, vector<1x64x128xf32>
    %get3A_27 = vector.shape_cast %get3A_26 : vector<1x64x128xf32> to vector<64x128xf32>
    %slice3A_28 = vector.extract_strided_slice %get3A_27 {offsets = [0, 0], sizes = [64, 64], strides = [1, 1]} : vector<64x128xf32> to vector<64x64xf32>
    %slice3A_29 = vector.extract_strided_slice %exp3A {offsets = [0, 128], sizes = [1, 64], strides = [1, 1]} : vector<1x512xf32> to vector<1x64xf32>
    %mul3A_30 = vector.broadcast %slice3A_29 : vector<1x64xf32> to vector<64x64xf32>
    %mul3A_31 = arith.mulf %slice3A_28, %mul3A_30 : vector<64x64xf32>
    %get3A_32 = arith.constant 3 : index
    %get3A_33 = arith.constant 0 : index
    %get3A_34 = arith.constant 0 : index
    %get3A_35 = vector.load %arg1[%get3A_32, %get3A_33, %get3A_34] : memref<8x64x128xf32, #tpu.memory_space<vmem>>, vector<1x64x128xf32>
    %get3A_36 = vector.shape_cast %get3A_35 : vector<1x64x128xf32> to vector<64x128xf32>
    %slice3A_37 = vector.extract_strided_slice %get3A_36 {offsets = [0, 0], sizes = [64, 64], strides = [1, 1]} : vector<64x128xf32> to vector<64x64xf32>
    %slice3A_38 = vector.extract_strided_slice %exp3A {offsets = [0, 192], sizes = [1, 64], strides = [1, 1]} : vector<1x512xf32> to vector<1x64xf32>
    %mul3A_39 = vector.broadcast %slice3A_38 : vector<1x64xf32> to vector<64x64xf32>
    %mul3A_40 = arith.mulf %slice3A_37, %mul3A_39 : vector<64x64xf32>
    %get3A_41 = arith.constant 4 : index
    %get3A_42 = arith.constant 0 : index
    %get3A_43 = arith.constant 0 : index
    %get3A_44 = vector.load %arg1[%get3A_41, %get3A_42, %get3A_43] : memref<8x64x128xf32, #tpu.memory_space<vmem>>, vector<1x64x128xf32>
    %get3A_45 = vector.shape_cast %get3A_44 : vector<1x64x128xf32> to vector<64x128xf32>
    %slice3A_46 = vector.extract_strided_slice %get3A_45 {offsets = [0, 0], sizes = [64, 64], strides = [1, 1]} : vector<64x128xf32> to vector<64x64xf32>
    %slice3A_47 = vector.extract_strided_slice %exp3A {offsets = [0, 256], sizes = [1, 64], strides = [1, 1]} : vector<1x512xf32> to vector<1x64xf32>
    %mul3A_48 = vector.broadcast %slice3A_47 : vector<1x64xf32> to vector<64x64xf32>
    %mul3A_49 = arith.mulf %slice3A_46, %mul3A_48 : vector<64x64xf32>
    %get3A_50 = arith.constant 5 : index
    %get3A_51 = arith.constant 0 : index
    %get3A_52 = arith.constant 0 : index
    %get3A_53 = vector.load %arg1[%get3A_50, %get3A_51, %get3A_52] : memref<8x64x128xf32, #tpu.memory_space<vmem>>, vector<1x64x128xf32>
    %get3A_54 = vector.shape_cast %get3A_53 : vector<1x64x128xf32> to vector<64x128xf32>
    %slice3A_55 = vector.extract_strided_slice %get3A_54 {offsets = [0, 0], sizes = [64, 64], strides = [1, 1]} : vector<64x128xf32> to vector<64x64xf32>
    %slice3A_56 = vector.extract_strided_slice %exp3A {offsets = [0, 320], sizes = [1, 64], strides = [1, 1]} : vector<1x512xf32> to vector<1x64xf32>
    %mul3A_57 = vector.broadcast %slice3A_56 : vector<1x64xf32> to vector<64x64xf32>
    %mul3A_58 = arith.mulf %slice3A_55, %mul3A_57 : vector<64x64xf32>
    %get3A_59 = arith.constant 6 : index
    %get3A_60 = arith.constant 0 : index
    %get3A_61 = arith.constant 0 : index
    %get3A_62 = vector.load %arg1[%get3A_59, %get3A_60, %get3A_61] : memref<8x64x128xf32, #tpu.memory_space<vmem>>, vector<1x64x128xf32>
    %get3A_63 = vector.shape_cast %get3A_62 : vector<1x64x128xf32> to vector<64x128xf32>
    %slice3A_64 = vector.extract_strided_slice %get3A_63 {offsets = [0, 0], sizes = [64, 64], strides = [1, 1]} : vector<64x128xf32> to vector<64x64xf32>
    %slice3A_65 = vector.extract_strided_slice %exp3A {offsets = [0, 384], sizes = [1, 64], strides = [1, 1]} : vector<1x512xf32> to vector<1x64xf32>
    %mul3A_66 = vector.broadcast %slice3A_65 : vector<1x64xf32> to vector<64x64xf32>
    %mul3A_67 = arith.mulf %slice3A_64, %mul3A_66 : vector<64x64xf32>
    %get3A_68 = arith.constant 7 : index
    %get3A_69 = arith.constant 0 : index
    %get3A_70 = arith.constant 0 : index
    %get3A_71 = vector.load %arg1[%get3A_68, %get3A_69, %get3A_70] : memref<8x64x128xf32, #tpu.memory_space<vmem>>, vector<1x64x128xf32>
    %get3A_72 = vector.shape_cast %get3A_71 : vector<1x64x128xf32> to vector<64x128xf32>
    %slice3A_73 = vector.extract_strided_slice %get3A_72 {offsets = [0, 0], sizes = [64, 64], strides = [1, 1]} : vector<64x128xf32> to vector<64x64xf32>
    %slice3A_74 = vector.extract_strided_slice %exp3A {offsets = [0, 448], sizes = [1, 64], strides = [1, 1]} : vector<1x512xf32> to vector<1x64xf32>
    %mul3A_75 = vector.broadcast %slice3A_74 : vector<1x64xf32> to vector<64x64xf32>
    %mul3A_76 = arith.mulf %slice3A_73, %mul3A_75 : vector<64x64xf32>
    %get3A_77 = arith.constant 0 : index
    %get3A_78 = arith.constant 0 : index
    %get3A_79 = arith.constant 0 : index
    %get3A_80 = vector.load %arg0[%get3A_77, %get3A_78, %get3A_79] : memref<8x64x128xf32, #tpu.memory_space<vmem>>, vector<1x64x128xf32>
    %get3A_81 = vector.shape_cast %get3A_80 : vector<1x64x128xf32> to vector<64x128xf32>
    %dot_general3A_82 = arith.constant dense<0.000000e+00> : vector<64x128xf32>
    %dot_general3A_83 = tpu.matmul %mul3A_13, %get3A_81, %dot_general3A_82 {dimension_numbers = #tpu.dot_dimension_numbers<[1], [0], [0], [1], [0, 0, 1, 1], [], []>, precision = #tpu.contract_precision<fp32>, transpose_lhs_hint = false} : vector<64x64xf32>, vector<64x128xf32>, vector<64x128xf32> -> vector<64x128xf32>
    %get3A_84 = arith.constant 1 : index
    %get3A_85 = arith.constant 0 : index
    %get3A_86 = arith.constant 0 : index
    %get3A_87 = vector.load %arg0[%get3A_84, %get3A_85, %get3A_86] : memref<8x64x128xf32, #tpu.memory_space<vmem>>, vector<1x64x128xf32>
    %get3A_88 = vector.shape_cast %get3A_87 : vector<1x64x128xf32> to vector<64x128xf32>
    %dot_general3A_89 = arith.constant dense<0.000000e+00> : vector<64x128xf32>
    %dot_general3A_90 = tpu.matmul %mul3A_22, %get3A_88, %dot_general3A_89 {dimension_numbers = #tpu.dot_dimension_numbers<[1], [0], [0], [1], [0, 0, 1, 1], [], []>, precision = #tpu.contract_precision<fp32>, transpose_lhs_hint = false} : vector<64x64xf32>, vector<64x128xf32>, vector<64x128xf32> -> vector<64x128xf32>
    %get3A_91 = arith.constant 2 : index
    %get3A_92 = arith.constant 0 : index
    %get3A_93 = arith.constant 0 : index
    %get3A_94 = vector.load %arg0[%get3A_91, %get3A_92, %get3A_93] : memref<8x64x128xf32, #tpu.memory_space<vmem>>, vector<1x64x128xf32>
    %get3A_95 = vector.shape_cast %get3A_94 : vector<1x64x128xf32> to vector<64x128xf32>
    %dot_general3A_96 = arith.constant dense<0.000000e+00> : vector<64x128xf32>
    %dot_general3A_97 = tpu.matmul %mul3A_31, %get3A_95, %dot_general3A_96 {dimension_numbers = #tpu.dot_dimension_numbers<[1], [0], [0], [1], [0, 0, 1, 1], [], []>, precision = #tpu.contract_precision<fp32>, transpose_lhs_hint = false} : vector<64x64xf32>, vector<64x128xf32>, vector<64x128xf32> -> vector<64x128xf32>
    %get3A_98 = arith.constant 3 : index
    %get3A_99 = arith.constant 0 : index
    %get3A_100 = arith.constant 0 : index
    %get3A_101 = vector.load %arg0[%get3A_98, %get3A_99, %get3A_100] : memref<8x64x128xf32, #tpu.memory_space<vmem>>, vector<1x64x128xf32>
    %get3A_102 = vector.shape_cast %get3A_101 : vector<1x64x128xf32> to vector<64x128xf32>
    %dot_general3A_103 = arith.constant dense<0.000000e+00> : vector<64x128xf32>
    %dot_general3A_104 = tpu.matmul %mul3A_40, %get3A_102, %dot_general3A_103 {dimension_numbers = #tpu.dot_dimension_numbers<[1], [0], [0], [1], [0, 0, 1, 1], [], []>, precision = #tpu.contract_precision<fp32>, transpose_lhs_hint = false} : vector<64x64xf32>, vector<64x128xf32>, vector<64x128xf32> -> vector<64x128xf32>
    %get3A_105 = arith.constant 4 : index
    %get3A_106 = arith.constant 0 : index
    %get3A_107 = arith.constant 0 : index
    %get3A_108 = vector.load %arg0[%get3A_105, %get3A_106, %get3A_107] : memref<8x64x128xf32, #tpu.memory_space<vmem>>, vector<1x64x128xf32>
    %get3A_109 = vector.shape_cast %get3A_108 : vector<1x64x128xf32> to vector<64x128xf32>
    %dot_general3A_110 = arith.constant dense<0.000000e+00> : vector<64x128xf32>
    %dot_general3A_111 = tpu.matmul %mul3A_49, %get3A_109, %dot_general3A_110 {dimension_numbers = #tpu.dot_dimension_numbers<[1], [0], [0], [1], [0, 0, 1, 1], [], []>, precision = #tpu.contract_precision<fp32>, transpose_lhs_hint = false} : vector<64x64xf32>, vector<64x128xf32>, vector<64x128xf32> -> vector<64x128xf32>
    %get3A_112 = arith.constant 5 : index
    %get3A_113 = arith.constant 0 : index
    %get3A_114 = arith.constant 0 : index
    %get3A_115 = vector.load %arg0[%get3A_112, %get3A_113, %get3A_114] : memref<8x64x128xf32, #tpu.memory_space<vmem>>, vector<1x64x128xf32>
    %get3A_116 = vector.shape_cast %get3A_115 : vector<1x64x128xf32> to vector<64x128xf32>
    %dot_general3A_117 = arith.constant dense<0.000000e+00> : vector<64x128xf32>
    %dot_general3A_118 = tpu.matmul %mul3A_58, %get3A_116, %dot_general3A_117 {dimension_numbers = #tpu.dot_dimension_numbers<[1], [0], [0], [1], [0, 0, 1, 1], [], []>, precision = #tpu.contract_precision<fp32>, transpose_lhs_hint = false} : vector<64x64xf32>, vector<64x128xf32>, vector<64x128xf32> -> vector<64x128xf32>
    %get3A_119 = arith.constant 6 : index
    %get3A_120 = arith.constant 0 : index
    %get3A_121 = arith.constant 0 : index
    %get3A_122 = vector.load %arg0[%get3A_119, %get3A_120, %get3A_121] : memref<8x64x128xf32, #tpu.memory_space<vmem>>, vector<1x64x128xf32>
    %get3A_123 = vector.shape_cast %get3A_122 : vector<1x64x128xf32> to vector<64x128xf32>
    %dot_general3A_124 = arith.constant dense<0.000000e+00> : vector<64x128xf32>
    %dot_general3A_125 = tpu.matmul %mul3A_67, %get3A_123, %dot_general3A_124 {dimension_numbers = #tpu.dot_dimension_numbers<[1], [0], [0], [1], [0, 0, 1, 1], [], []>, precision = #tpu.contract_precision<fp32>, transpose_lhs_hint = false} : vector<64x64xf32>, vector<64x128xf32>, vector<64x128xf32> -> vector<64x128xf32>
    %get3A_126 = arith.constant 7 : index
    %get3A_127 = arith.constant 0 : index
    %get3A_128 = arith.constant 0 : index
    %get3A_129 = vector.load %arg0[%get3A_126, %get3A_127, %get3A_128] : memref<8x64x128xf32, #tpu.memory_space<vmem>>, vector<1x64x128xf32>
    %get3A_130 = vector.shape_cast %get3A_129 : vector<1x64x128xf32> to vector<64x128xf32>
    %dot_general3A_131 = arith.constant dense<0.000000e+00> : vector<64x128xf32>
    %dot_general3A_132 = tpu.matmul %mul3A_76, %get3A_130, %dot_general3A_131 {dimension_numbers = #tpu.dot_dimension_numbers<[1], [0], [0], [1], [0, 0, 1, 1], [], []>, precision = #tpu.contract_precision<fp32>, transpose_lhs_hint = false} : vector<64x64xf32>, vector<64x128xf32>, vector<64x128xf32> -> vector<64x128xf32>
    %reduce_sum3A = arith.constant dense<0.000000e+00> : vector<64xf32>
    %reduce_sum3A_133 = vector.multi_reduction <add>, %mul3A_13, %reduce_sum3A [1] : vector<64x64xf32> to vector<64xf32>
    %broadcast_in_dim3A = vector.shape_cast %reduce_sum3A_133 : vector<64xf32> to vector<64x1xf32>
    %gt3A = arith.constant 0.000000e+00 : f32
    %gt3A_134 = vector.broadcast %gt3A : f32 to vector<64x1xf32>
    %gt3A_135 = arith.cmpf ogt, %broadcast_in_dim3A, %gt3A_134 : vector<64x1xf32>
    %div3A = vector.broadcast %broadcast_in_dim3A : vector<64x1xf32> to vector<64x128xf32>
    %div3A_136 = arith.divf %dot_general3A_83, %div3A : vector<64x128xf32>
    %get3A_137 = arith.constant 0 : index
    %get3A_138 = arith.constant 0 : index
    %get3A_139 = arith.constant 0 : index
    %get3A_140 = vector.load %arg0[%get3A_137, %get3A_138, %get3A_139] : memref<8x64x128xf32, #tpu.memory_space<vmem>>, vector<1x64x128xf32>
    %get3A_141 = vector.shape_cast %get3A_140 : vector<1x64x128xf32> to vector<64x128xf32>
    %broadcast_in_dim3A_142 = vector.shape_cast %gt3A_135 : vector<64x1xi1> to vector<64x1xi1>
    %broadcast_in_dim3A_143 = vector.broadcast %broadcast_in_dim3A_142 : vector<64x1xi1> to vector<64x128xi1>
    %select_n3A = arith.select %broadcast_in_dim3A_143, %div3A_136, %get3A_141 : vector<64x128xi1>, vector<64x128xf32>
    %swap3A = arith.constant 0 : index
    %swap3A_144 = arith.constant 0 : index
    %swap3A_145 = arith.constant 0 : index
    %swap3A_146 = vector.load %arg3[%swap3A, %swap3A_144, %swap3A_145] : memref<8x64x128xf32, #tpu.memory_space<vmem>>, vector<1x64x128xf32>
    %swap3A_147 = vector.shape_cast %swap3A_146 : vector<1x64x128xf32> to vector<64x128xf32>
    %swap3A_148 = vector.shape_cast %select_n3A : vector<64x128xf32> to vector<1x64x128xf32>
    tpu.vector_store %arg3[%swap3A, %swap3A_144, %swap3A_145], %swap3A_148 {strides = array<i32>} : memref<8x64x128xf32, #tpu.memory_space<vmem>>, vector<1x64x128xf32>,
    %reduce_sum3A_149 = arith.constant dense<0.000000e+00> : vector<64xf32>
    %reduce_sum3A_150 = vector.multi_reduction <add>, %mul3A_22, %reduce_sum3A_149 [1] : vector<64x64xf32> to vector<64xf32>
    %broadcast_in_dim3A_151 = vector.shape_cast %reduce_sum3A_150 : vector<64xf32> to vector<64x1xf32>
    %gt3A_152 = arith.constant 0.000000e+00 : f32
    %gt3A_153 = vector.broadcast %gt3A_152 : f32 to vector<64x1xf32>
    %gt3A_154 = arith.cmpf ogt, %broadcast_in_dim3A_151, %gt3A_153 : vector<64x1xf32>
    %div3A_155 = vector.broadcast %broadcast_in_dim3A_151 : vector<64x1xf32> to vector<64x128xf32>
    %div3A_156 = arith.divf %dot_general3A_90, %div3A_155 : vector<64x128xf32>
    %get3A_157 = arith.constant 1 : index
    %get3A_158 = arith.constant 0 : index
    %get3A_159 = arith.constant 0 : index
    %get3A_160 = vector.load %arg0[%get3A_157, %get3A_158, %get3A_159] : memref<8x64x128xf32, #tpu.memory_space<vmem>>, vector<1x64x128xf32>
    %get3A_161 = vector.shape_cast %get3A_160 : vector<1x64x128xf32> to vector<64x128xf32>
    %broadcast_in_dim3A_162 = vector.shape_cast %gt3A_154 : vector<64x1xi1> to vector<64x1xi1>
    %broadcast_in_dim3A_163 = vector.broadcast %broadcast_in_dim3A_162 : vector<64x1xi1> to vector<64x128xi1>
    %select_n3A_164 = arith.select %broadcast_in_dim3A_163, %div3A_156, %get3A_161 : vector<64x128xi1>, vector<64x128xf32>
    %swap3A_165 = arith.constant 1 : index
    %swap3A_166 = arith.constant 0 : index
    %swap3A_167 = arith.constant 0 : index
    %swap3A_168 = vector.load %arg3[%swap3A_165, %swap3A_166, %swap3A_167] : memref<8x64x128xf32, #tpu.memory_space<vmem>>, vector<1x64x128xf32>
    %swap3A_169 = vector.shape_cast %swap3A_168 : vector<1x64x128xf32> to vector<64x128xf32>
    %swap3A_170 = vector.shape_cast %select_n3A_164 : vector<64x128xf32> to vector<1x64x128xf32>
    tpu.vector_store %arg3[%swap3A_165, %swap3A_166, %swap3A_167], %swap3A_170 {strides = array<i32>} : memref<8x64x128xf32, #tpu.memory_space<vmem>>, vector<1x64x128xf32>,
    %reduce_sum3A_171 = arith.constant dense<0.000000e+00> : vector<64xf32>
    %reduce_sum3A_172 = vector.multi_reduction <add>, %mul3A_31, %reduce_sum3A_171 [1] : vector<64x64xf32> to vector<64xf32>
    %broadcast_in_dim3A_173 = vector.shape_cast %reduce_sum3A_172 : vector<64xf32> to vector<64x1xf32>
    %gt3A_174 = arith.constant 0.000000e+00 : f32
    %gt3A_175 = vector.broadcast %gt3A_174 : f32 to vector<64x1xf32>
    %gt3A_176 = arith.cmpf ogt, %broadcast_in_dim3A_173, %gt3A_175 : vector<64x1xf32>
    %div3A_177 = vector.broadcast %broadcast_in_dim3A_173 : vector<64x1xf32> to vector<64x128xf32>
    %div3A_178 = arith.divf %dot_general3A_97, %div3A_177 : vector<64x128xf32>
    %get3A_179 = arith.constant 2 : index
    %get3A_180 = arith.constant 0 : index
    %get3A_181 = arith.constant 0 : index
    %get3A_182 = vector.load %arg0[%get3A_179, %get3A_180, %get3A_181] : memref<8x64x128xf32, #tpu.memory_space<vmem>>, vector<1x64x128xf32>
    %get3A_183 = vector.shape_cast %get3A_182 : vector<1x64x128xf32> to vector<64x128xf32>
    %broadcast_in_dim3A_184 = vector.shape_cast %gt3A_176 : vector<64x1xi1> to vector<64x1xi1>
    %broadcast_in_dim3A_185 = vector.broadcast %broadcast_in_dim3A_184 : vector<64x1xi1> to vector<64x128xi1>
    %select_n3A_186 = arith.select %broadcast_in_dim3A_185, %div3A_178, %get3A_183 : vector<64x128xi1>, vector<64x128xf32>
    %swap3A_187 = arith.constant 2 : index
    %swap3A_188 = arith.constant 0 : index
    %swap3A_189 = arith.constant 0 : index
    %swap3A_190 = vector.load %arg3[%swap3A_187, %swap3A_188, %swap3A_189] : memref<8x64x128xf32, #tpu.memory_space<vmem>>, vector<1x64x128xf32>
    %swap3A_191 = vector.shape_cast %swap3A_190 : vector<1x64x128xf32> to vector<64x128xf32>
    %swap3A_192 = vector.shape_cast %select_n3A_186 : vector<64x128xf32> to vector<1x64x128xf32>
    tpu.vector_store %arg3[%swap3A_187, %swap3A_188, %swap3A_189], %swap3A_192 {strides = array<i32>} : memref<8x64x128xf32, #tpu.memory_space<vmem>>, vector<1x64x128xf32>,
    %reduce_sum3A_193 = arith.constant dense<0.000000e+00> : vector<64xf32>
    %reduce_sum3A_194 = vector.multi_reduction <add>, %mul3A_40, %reduce_sum3A_193 [1] : vector<64x64xf32> to vector<64xf32>
    %broadcast_in_dim3A_195 = vector.shape_cast %reduce_sum3A_194 : vector<64xf32> to vector<64x1xf32>
    %gt3A_196 = arith.constant 0.000000e+00 : f32
    %gt3A_197 = vector.broadcast %gt3A_196 : f32 to vector<64x1xf32>
    %gt3A_198 = arith.cmpf ogt, %broadcast_in_dim3A_195, %gt3A_197 : vector<64x1xf32>
    %div3A_199 = vector.broadcast %broadcast_in_dim3A_195 : vector<64x1xf32> to vector<64x128xf32>
    %div3A_200 = arith.divf %dot_general3A_104, %div3A_199 : vector<64x128xf32>
    %get3A_201 = arith.constant 3 : index
    %get3A_202 = arith.constant 0 : index
    %get3A_203 = arith.constant 0 : index
    %get3A_204 = vector.load %arg0[%get3A_201, %get3A_202, %get3A_203] : memref<8x64x128xf32, #tpu.memory_space<vmem>>, vector<1x64x128xf32>
    %get3A_205 = vector.shape_cast %get3A_204 : vector<1x64x128xf32> to vector<64x128xf32>
    %broadcast_in_dim3A_206 = vector.shape_cast %gt3A_198 : vector<64x1xi1> to vector<64x1xi1>
    %broadcast_in_dim3A_207 = vector.broadcast %broadcast_in_dim3A_206 : vector<64x1xi1> to vector<64x128xi1>
    %select_n3A_208 = arith.select %broadcast_in_dim3A_207, %div3A_200, %get3A_205 : vector<64x128xi1>, vector<64x128xf32>
    %swap3A_209 = arith.constant 3 : index
    %swap3A_210 = arith.constant 0 : index
    %swap3A_211 = arith.constant 0 : index
    %swap3A_212 = vector.load %arg3[%swap3A_209, %swap3A_210, %swap3A_211] : memref<8x64x128xf32, #tpu.memory_space<vmem>>, vector<1x64x128xf32>
    %swap3A_213 = vector.shape_cast %swap3A_212 : vector<1x64x128xf32> to vector<64x128xf32>
    %swap3A_214 = vector.shape_cast %select_n3A_208 : vector<64x128xf32> to vector<1x64x128xf32>
    tpu.vector_store %arg3[%swap3A_209, %swap3A_210, %swap3A_211], %swap3A_214 {strides = array<i32>} : memref<8x64x128xf32, #tpu.memory_space<vmem>>, vector<1x64x128xf32>,
    %reduce_sum3A_215 = arith.constant dense<0.000000e+00> : vector<64xf32>
    %reduce_sum3A_216 = vector.multi_reduction <add>, %mul3A_49, %reduce_sum3A_215 [1] : vector<64x64xf32> to vector<64xf32>
    %broadcast_in_dim3A_217 = vector.shape_cast %reduce_sum3A_216 : vector<64xf32> to vector<64x1xf32>
    %gt3A_218 = arith.constant 0.000000e+00 : f32
    %gt3A_219 = vector.broadcast %gt3A_218 : f32 to vector<64x1xf32>
    %gt3A_220 = arith.cmpf ogt, %broadcast_in_dim3A_217, %gt3A_219 : vector<64x1xf32>
    %div3A_221 = vector.broadcast %broadcast_in_dim3A_217 : vector<64x1xf32> to vector<64x128xf32>
    %div3A_222 = arith.divf %dot_general3A_111, %div3A_221 : vector<64x128xf32>
    %get3A_223 = arith.constant 4 : index
    %get3A_224 = arith.constant 0 : index
    %get3A_225 = arith.constant 0 : index
    %get3A_226 = vector.load %arg0[%get3A_223, %get3A_224, %get3A_225] : memref<8x64x128xf32, #tpu.memory_space<vmem>>, vector<1x64x128xf32>
    %get3A_227 = vector.shape_cast %get3A_226 : vector<1x64x128xf32> to vector<64x128xf32>
    %broadcast_in_dim3A_228 = vector.shape_cast %gt3A_220 : vector<64x1xi1> to vector<64x1xi1>
    %broadcast_in_dim3A_229 = vector.broadcast %broadcast_in_dim3A_228 : vector<64x1xi1> to vector<64x128xi1>
    %select_n3A_230 = arith.select %broadcast_in_dim3A_229, %div3A_222, %get3A_227 : vector<64x128xi1>, vector<64x128xf32>
    %swap3A_231 = arith.constant 4 : index
    %swap3A_232 = arith.constant 0 : index
    %swap3A_233 = arith.constant 0 : index
    %swap3A_234 = vector.load %arg3[%swap3A_231, %swap3A_232, %swap3A_233] : memref<8x64x128xf32, #tpu.memory_space<vmem>>, vector<1x64x128xf32>
    %swap3A_235 = vector.shape_cast %swap3A_234 : vector<1x64x128xf32> to vector<64x128xf32>
    %swap3A_236 = vector.shape_cast %select_n3A_230 : vector<64x128xf32> to vector<1x64x128xf32>
    tpu.vector_store %arg3[%swap3A_231, %swap3A_232, %swap3A_233], %swap3A_236 {strides = array<i32>} : memref<8x64x128xf32, #tpu.memory_space<vmem>>, vector<1x64x128xf32>,
    %reduce_sum3A_237 = arith.constant dense<0.000000e+00> : vector<64xf32>
    %reduce_sum3A_238 = vector.multi_reduction <add>, %mul3A_58, %reduce_sum3A_237 [1] : vector<64x64xf32> to vector<64xf32>
    %broadcast_in_dim3A_239 = vector.shape_cast %reduce_sum3A_238 : vector<64xf32> to vector<64x1xf32>
    %gt3A_240 = arith.constant 0.000000e+00 : f32
    %gt3A_241 = vector.broadcast %gt3A_240 : f32 to vector<64x1xf32>
    %gt3A_242 = arith.cmpf ogt, %broadcast_in_dim3A_239, %gt3A_241 : vector<64x1xf32>
    %div3A_243 = vector.broadcast %broadcast_in_dim3A_239 : vector<64x1xf32> to vector<64x128xf32>
    %div3A_244 = arith.divf %dot_general3A_118, %div3A_243 : vector<64x128xf32>
    %get3A_245 = arith.constant 5 : index
    %get3A_246 = arith.constant 0 : index
    %get3A_247 = arith.constant 0 : index
    %get3A_248 = vector.load %arg0[%get3A_245, %get3A_246, %get3A_247] : memref<8x64x128xf32, #tpu.memory_space<vmem>>, vector<1x64x128xf32>
    %get3A_249 = vector.shape_cast %get3A_248 : vector<1x64x128xf32> to vector<64x128xf32>
    %broadcast_in_dim3A_250 = vector.shape_cast %gt3A_242 : vector<64x1xi1> to vector<64x1xi1>
    %broadcast_in_dim3A_251 = vector.broadcast %broadcast_in_dim3A_250 : vector<64x1xi1> to vector<64x128xi1>
    %select_n3A_252 = arith.select %broadcast_in_dim3A_251, %div3A_244, %get3A_249 : vector<64x128xi1>, vector<64x128xf32>
    %swap3A_253 = arith.constant 5 : index
    %swap3A_254 = arith.constant 0 : index
    %swap3A_255 = arith.constant 0 : index
    %swap3A_256 = vector.load %arg3[%swap3A_253, %swap3A_254, %swap3A_255] : memref<8x64x128xf32, #tpu.memory_space<vmem>>, vector<1x64x128xf32>
    %swap3A_257 = vector.shape_cast %swap3A_256 : vector<1x64x128xf32> to vector<64x128xf32>
    %swap3A_258 = vector.shape_cast %select_n3A_252 : vector<64x128xf32> to vector<1x64x128xf32>
    tpu.vector_store %arg3[%swap3A_253, %swap3A_254, %swap3A_255], %swap3A_258 {strides = array<i32>} : memref<8x64x128xf32, #tpu.memory_space<vmem>>, vector<1x64x128xf32>,
    %reduce_sum3A_259 = arith.constant dense<0.000000e+00> : vector<64xf32>
    %reduce_sum3A_260 = vector.multi_reduction <add>, %mul3A_67, %reduce_sum3A_259 [1] : vector<64x64xf32> to vector<64xf32>
    %broadcast_in_dim3A_261 = vector.shape_cast %reduce_sum3A_260 : vector<64xf32> to vector<64x1xf32>
    %gt3A_262 = arith.constant 0.000000e+00 : f32
    %gt3A_263 = vector.broadcast %gt3A_262 : f32 to vector<64x1xf32>
    %gt3A_264 = arith.cmpf ogt, %broadcast_in_dim3A_261, %gt3A_263 : vector<64x1xf32>
    %div3A_265 = vector.broadcast %broadcast_in_dim3A_261 : vector<64x1xf32> to vector<64x128xf32>
    %div3A_266 = arith.divf %dot_general3A_125, %div3A_265 : vector<64x128xf32>
    %get3A_267 = arith.constant 6 : index
    %get3A_268 = arith.constant 0 : index
    %get3A_269 = arith.constant 0 : index
    %get3A_270 = vector.load %arg0[%get3A_267, %get3A_268, %get3A_269] : memref<8x64x128xf32, #tpu.memory_space<vmem>>, vector<1x64x128xf32>
    %get3A_271 = vector.shape_cast %get3A_270 : vector<1x64x128xf32> to vector<64x128xf32>
    %broadcast_in_dim3A_272 = vector.shape_cast %gt3A_264 : vector<64x1xi1> to vector<64x1xi1>
    %broadcast_in_dim3A_273 = vector.broadcast %broadcast_in_dim3A_272 : vector<64x1xi1> to vector<64x128xi1>
    %select_n3A_274 = arith.select %broadcast_in_dim3A_273, %div3A_266, %get3A_271 : vector<64x128xi1>, vector<64x128xf32>
    %swap3A_275 = arith.constant 6 : index
    %swap3A_276 = arith.constant 0 : index
    %swap3A_277 = arith.constant 0 : index
    %swap3A_278 = vector.load %arg3[%swap3A_275, %swap3A_276, %swap3A_277] : memref<8x64x128xf32, #tpu.memory_space<vmem>>, vector<1x64x128xf32>
    %swap3A_279 = vector.shape_cast %swap3A_278 : vector<1x64x128xf32> to vector<64x128xf32>
    %swap3A_280 = vector.shape_cast %select_n3A_274 : vector<64x128xf32> to vector<1x64x128xf32>
    tpu.vector_store %arg3[%swap3A_275, %swap3A_276, %swap3A_277], %swap3A_280 {strides = array<i32>} : memref<8x64x128xf32, #tpu.memory_space<vmem>>, vector<1x64x128xf32>,
    %reduce_sum3A_281 = arith.constant dense<0.000000e+00> : vector<64xf32>
    %reduce_sum3A_282 = vector.multi_reduction <add>, %mul3A_76, %reduce_sum3A_281 [1] : vector<64x64xf32> to vector<64xf32>
    %broadcast_in_dim3A_283 = vector.shape_cast %reduce_sum3A_282 : vector<64xf32> to vector<64x1xf32>
    %gt3A_284 = arith.constant 0.000000e+00 : f32
    %gt3A_285 = vector.broadcast %gt3A_284 : f32 to vector<64x1xf32>
    %gt3A_286 = arith.cmpf ogt, %broadcast_in_dim3A_283, %gt3A_285 : vector<64x1xf32>
    %div3A_287 = vector.broadcast %broadcast_in_dim3A_283 : vector<64x1xf32> to vector<64x128xf32>
    %div3A_288 = arith.divf %dot_general3A_132, %div3A_287 : vector<64x128xf32>
    %get3A_289 = arith.constant 7 : index
    %get3A_290 = arith.constant 0 : index
    %get3A_291 = arith.constant 0 : index
    %get3A_292 = vector.load %arg0[%get3A_289, %get3A_290, %get3A_291] : memref<8x64x128xf32, #tpu.memory_space<vmem>>, vector<1x64x128xf32>
    %get3A_293 = vector.shape_cast %get3A_292 : vector<1x64x128xf32> to vector<64x128xf32>
    %broadcast_in_dim3A_294 = vector.shape_cast %gt3A_286 : vector<64x1xi1> to vector<64x1xi1>
    %broadcast_in_dim3A_295 = vector.broadcast %broadcast_in_dim3A_294 : vector<64x1xi1> to vector<64x128xi1>
    %select_n3A_296 = arith.select %broadcast_in_dim3A_295, %div3A_288, %get3A_293 : vector<64x128xi1>, vector<64x128xf32>
    %swap3A_297 = arith.constant 7 : index
    %swap3A_298 = arith.constant 0 : index
    %swap3A_299 = arith.constant 0 : index
    %swap3A_300 = vector.load %arg3[%swap3A_297, %swap3A_298, %swap3A_299] : memref<8x64x128xf32, #tpu.memory_space<vmem>>, vector<1x64x128xf32>
    %swap3A_301 = vector.shape_cast %swap3A_300 : vector<1x64x128xf32> to vector<64x128xf32>
    %swap3A_302 = vector.shape_cast %select_n3A_296 : vector<64x128xf32> to vector<1x64x128xf32>
    tpu.vector_store %arg3[%swap3A_297, %swap3A_298, %swap3A_299], %swap3A_302 {strides = array<i32>} : memref<8x64x128xf32, #tpu.memory_space<vmem>>, vector<1x64x128xf32>,
    return
  }
}

</mosaic_0001>

<sc_bundles>
// kernel: kernel.4.cloned.1.call-start
scs
__scs_entry_jumppad:
0x0: {  	(pc) =	sbr.rel $0x88, $3  }
0x1: {  	(tag) =	ssettag $0x0;
	lr =	simm.s32 $0x1  }
0x2: {  	[smem:$0x3F9D] =	sst lr;
	_ =	strace $0xD0000000  }
0x3: {  	_ = 	snop  }
0x4: {  	_ = 	snop  }
0x5: {  	_ = 	snop  }
0x6: {  	_ = 	snop  }
0x7: {  	_ = 	snop  }
__scs_overlays_trampoline_lowered:
0x8: {  	[smem:$0x3FAC] =	sst s0  }
0x9: {  	[smem:$0x3FAD] =	sst s1  }
0xa: {  	[smem:$0x3FAE] =	sst s2  }
0xb: {  	[smem:$0x3FAF] =	sst s3  }
0xc: {  	[smem:$0x3FB0] =	sst s4  }
0xd: {  	[smem:$0x3FB1] =	sst s5  }
0xe: {  	[smem:$0x3FB2] =	sst s6  }
0xf: {  	[smem:$0x3FB3] =	sst s7  }
0x10: {  	[smem:$0x3FB4] =	sst s8  }
0x11: {  	[smem:$0x3FB5] =	sst s9;
	s0 =	simm.s32 @!p0 $0x0  }
0x12: {  	s1 =	sld [smem:$0x3F9B];
	s0 =	simm.s32 @p0 $0x1  }
0x13: {  	[smem:$0x3FB6] =	sst s0;
	s0 =	simm.s32 @!p1 $0x0  }
0x14: {  	s2 =	sld [smem:$0x3F9A];
	s0 =	simm.s32 @p1 $0x1  }
0x15: {  	[smem:$0x3FB7] =	sst s0;
	s0 =	simm.s32 @!p2 $0x0  }
0x16: {  	s3 =	sld [smem:$0x3FDB];
	s0 =	simm.s32 @p2 $0x1  }
0x17: {  	s4 =	simm.s32 $0x1BF5;
	[smem:$0x3FB9] =	sst s0  }
0x18: {  	s0 =	sld [smem:$0x3F9C];
	_ =	swait.ge [sflag:s4], $0x0  }
0x19: {  	s7 =	sld [smem:$0x3F9D]  }
0x1a: {  	s8 =	sadd.s32 $0xFFFFE003, lr  }
0x1b: {  	s9 =	sadd.s32 $0xFFFFFEF7, lr;
	s5 =	simm.s32 $0xFFFFFFFF;
	p2 =	slt.u32 s8, $0xFFFFF086  }
0x1c: {  	p1 =	slt.u32 s9, $0xF7A;
	s5 =	simm.s32 @!p2 $0x0  }
0x1d: {  	s5 =	simm.s32 @p1 $0x1;
	p0 =	seq.s32 s7, s2  }
0x1e: {  	s7 =	smul.u32 @!p0 $0xF7A, s2;
	p2 =	seq.s32 @!p0 s5, $0x0  }
0x1f: {  	s9 =	smul.u32 $0xF7A, s1;
	s8 =	simm.s32 @!p0 $0x1BF5;
	p2 =	por !p2, p0  }
0x20: {  	[sflag:s8] =	ssyncset.s32 @!p0 $0xFFFFF086;
	s6 =	sadd.s32 @!p0 s3, s7;
	s7 =	simm.s32 @!p0 $0x108  }
0x21: {  	s3 =	sadd.s32 s3, s9;
	s6 =	sadd.s32 @!p0 $0x88, s6;
	s7 =	simm.s32 @p2 $0x1082  }
0x22: {  	[simem:s7], [sflag:s8] =	dma.local @!p0 [hbm:s6], $0xF7A  }
0x23: {  	s9 =	sor.u32 $0xD0000000, s2;
	s6 =	simm.s32 $0x108;
	_ =	swait.ge @!p0 [sflag:s8], $0x0  }
0x24: {  	s3 =	sadd.s32 $0x88, s3;
	s6 =	simm.s32 @!p1 $0x1082;
	[sflag:s4] =	ssyncset.s32 $0xFFFFF086  }
0x25: {  	[simem:s6], [sflag:s4] =	dma.local [hbm:s3], $0xF7A  }
0x26: {  	[smem:$0x3F9D] =	sst s1;
	(tag) =	ssettag s2;
	_ =	strace s9  }
0x27: {  	s1 =	sld [smem:$0x3FAD]  }
0x28: {  	s2 =	sld [smem:$0x3FAE]  }
0x29: {  	s4 =	sld [smem:$0x3FB0]  }
0x2a: {  	p0 =	seq.s32 s5, $0x0;
	s5 =	sld [smem:$0x3FB1]  }
0x2b: {  	s6 =	sld [smem:$0x3FB2]  }
0x2c: {  	s7 =	sld [smem:$0x3FB3]  }
0x2d: {  	s3 =	simm.s32 $0x108;
	s8 =	sld [smem:$0x3FB4]  }
0x2e: {  	s3 =	simm.s32 @!p0 $0x1082;
	s9 =	sld [smem:$0x3FB5]  }
0x2f: {  	lr =	sadd.s32 s0, s3;
	s0 =	sld [smem:$0x3FAC]  }
0x30: {  	s3 =	sld [smem:$0x3FAF]  }
0x31: {  	[smem:$0x3FB8] =	sst s10  }
0x32: {  	s10 =	sld [smem:$0x3FB6];
	_ =	sdelay $0x3  }
0x33: {  	p0 =	seq.s32 s10, $0x1;
	s10 =	sld [smem:$0x3FB8];
	_ =	sdelay $0x3  }
0x34: {  	[smem:$0x3FB8] =	sst s10  }
0x35: {  	s10 =	sld [smem:$0x3FB7];
	_ =	sdelay $0x3  }
0x36: {  	p1 =	seq.s32 s10, $0x1;
	s10 =	sld [smem:$0x3FB8];
	_ =	sdelay $0x3  }
0x37: {  	[smem:$0x3FB8] =	sst s10  }
0x38: {  	s10 =	sld [smem:$0x3FB9]  }
0x39: {  	_ = 	snop;
	(pc) =	sbr.ind lr, $3  }
0x3a: {  	_ = 	snop  }
0x3b: {  	_ = 	snop  }
0x3c: {  	p2 =	seq.s32 s10, $0x1;
	s10 =	sld [smem:$0x3FB8]  }
0x3d: {  	_ =	shalt  }
0x3e: {  	_ =	shalt  }
0x3f: {  	_ =	shalt  }
0x40: {  	_ =	shalt  }
0x41: {  	_ =	shalt  }
0x42: {  	_ =	shalt  }
0x43: {  	_ =	shalt  }
0x44: {  	_ =	shalt  }
0x45: {  	_ =	shalt  }
0x46: {  	_ =	shalt  }
0x47: {  	_ =	shalt  }
0x48: {  	_ =	shalt  }
0x49: {  	_ =	shalt  }
0x4a: {  	_ =	shalt  }
0x4b: {  	_ =	shalt  }
0x4c: {  	_ =	shalt  }
0x4d: {  	_ =	shalt  }
0x4e: {  	_ =	shalt  }
0x4f: {  	_ =	shalt  }
0x50: {  	_ =	shalt  }
0x51: {  	_ =	shalt  }
0x52: {  	_ =	shalt  }
0x53: {  	_ =	shalt  }
0x54: {  	_ =	shalt  }
0x55: {  	_ =	shalt  }
0x56: {  	_ =	shalt  }
0x57: {  	_ =	shalt  }
0x58: {  	_ =	shalt  }
0x59: {  	_ =	shalt  }
0x5a: {  	_ =	shalt  }
0x5b: {  	_ =	shalt  }
0x5c: {  	_ =	shalt  }
0x5d: {  	_ =	shalt  }
0x5e: {  	_ =	shalt  }
0x5f: {  	_ =	shalt  }
0x60: {  	_ =	shalt  }
0x61: {  	_ =	shalt  }
0x62: {  	_ =	shalt  }
0x63: {  	_ =	shalt  }
0x64: {  	_ =	shalt  }
0x65: {  	_ =	shalt  }
0x66: {  	_ =	shalt  }
0x67: {  	_ =	shalt  }
0x68: {  	_ =	shalt  }
0x69: {  	_ =	shalt  }
0x6a: {  	_ =	shalt  }
0x6b: {  	_ =	shalt  }
0x6c: {  	_ =	shalt  }
0x6d: {  	_ =	shalt  }
0x6e: {  	_ =	shalt  }
0x6f: {  	_ =	shalt  }
0x70: {  	_ =	shalt  }
0x71: {  	_ =	shalt  }
0x72: {  	_ =	shalt  }
0x73: {  	_ =	shalt  }
0x74: {  	_ =	shalt  }
0x75: {  	_ =	shalt  }
0x76: {  	_ =	shalt  }
0x77: {  	_ =	shalt  }
0x78: {  	_ =	shalt  }
0x79: {  	_ =	shalt  }
0x7a: {  	_ =	shalt  }
0x7b: {  	_ =	shalt  }
0x7c: {  	_ =	shalt  }
0x7d: {  	_ =	shalt  }
0x7e: {  	_ =	shalt  }
0x7f: {  	_ =	shalt  }
0x80: {  	_ =	shalt  }
0x81: {  	_ =	shalt  }
0x82: {  	_ =	shalt  }
0x83: {  	_ =	shalt  }
0x84: {  	_ =	shalt  }
0x85: {  	_ =	shalt  }
0x86: {  	_ =	shalt  }
0x87: {  	_ =	shalt  }
.Lfunc_end0:
.L_simem_size_0:
called_computation_lowered:
.L_overlay_start_0:
0x88: {  	s2 =	sld [smem:$0x3FD9]  }
0x89: {  	s3 =	sld [smem:$0x3FFE];
	_ =	sdelay $0x1  }
0x8a: {  	s1 =	srdreg.scid  }
0x8b: {  	s0 =	sand.u32 $0x1, s1  }
0x8c: {  	s18 =	sshll.u32 s0, $0xA;
	s2 =	sadd.s32 s3, s2  }
0x8d: {  	s2 =	sadd.s32 s2, s18  }
0x8e: {  	[smem:$0x3FC4] =	sst s2  }
0x8f: {  	_ = 	snop  }
0x90: {  	s2 =	sld [smem:$0x3FC8]  }
0x91: {  	s19 =	sld [smem:$0x3FC7]  }
0x92: {  	s4 =	sld [smem:$0x3FC6]  }
0x93: {  	s5 =	sld [smem:$0x3FD0];
	(tm) =	ssettm $0x1  }
0x94: {  	s6 =	sld [smem:$0x3FFB];
	_ =	sdelay $0x3  }
0x95: {  	_ =	strace s6  }
0x96: {  	s6 =	sld [smem:$0x3FFC];
	_ =	sdelay $0x3  }
0x97: {  	_ =	strace s6  }
0x98: {  	s6 =	sld [smem:$0x3FFD];
	_ =	sdelay $0x3  }
0x99: {  	_ =	strace s6  }
0x9a: {  	_ =	strace $0x8FFFFFFF  }
0x9b: {  	s20 =	sld [smem:$0x3FDB];
	_ =	sdelay $0x1  }
0x9c: {  	s7 =	simm.s32 $_scs_section_size  }
0x9d: {  	s8 =	simm.s32 $_size__tile_overlayer_lowered;
	s9 =	simm.s32 $_tile_overlayer_lowered  }
0x9e: {  	s23 =	simm.s32 $0x1BFF;
	s22 =	sshll.u32 s9, $0x1;
	s6 =	sadd.s32 s7, s20  }
0x9f: {  	s10 =	simm.s32 $0x0;
	s21 =	sshll.u32 s8, $0x1;
	s8 =	sadd.s32 s22, s6  }
0xa0: {  	[timem:s10], [sflag:s23] =	dma.local [hbm:s8], s21  }
0xa1: {  	_ =	swait.ge [sflag:s23], s21  }
0xa2: {  	s7 =	ssub.s32 $0x0, s21;
	[sflag:s23] =	ssyncset.done $0x0  }
0xa3: {  	[sflag:s23] =	ssyncadd.s32 s7;
	_ =	sdelay $0x1  }
0xa4: {  	s24 =	simm.s32 $0x1B8B  }
0xa5: {  	_ =	swait.ge [sflag:s24], $0x1  }
0xa6: {  	[sflag:s24] =	ssyncset.done $0x0  }
0xa7: {  	s25 =	simm.s32 $0x1B8E;
	[sflag:s24] =	ssyncadd.s32 $0xFFFFFFFF  }
0xa8: {  	s26 =	simm.s32 $execute0_lowered;
	[smem:$0x3FD2] =	sst s25  }
0xa9: {  	s7 =	sshll.u32 s26, $0x1;
	_ =	strace $0x80000046;
	[dreg:$0x1] =	wrdreg $0xFFFFFFFF  }
0xaa: {  	s28 =	simm.s32 $_size_execute0_lowered;
	s6 =	sadd.s32 s6, s7;
	[dreg:$0x0] =	wrdreg $0x0  }
0xab: {  	s7 =	sshll.u32 s28, $0x1;
	[dreg:$0x2] =	wrdreg s6  }
0xac: {  	[dreg:$0x3] =	wrdreg s7  }
0xad: {  	[dreg:$0x4] =	wrdreg $0xC0  }
0xae: {  	_ =	task [dreg:s10], $0x5FFFF  }
0xaf: {  	[dreg:$0x1] =	wrdreg $0xFFFFFFFF  }
0xb0: {  	[dreg:$0x0] =	wrdreg $0x60  }
0xb1: {  	[dreg:$0x2] =	wrdreg s19  }
0xb2: {  	[dreg:$0x3] =	wrdreg s4  }
0xb3: {  	[dreg:$0x4] =	wrdreg s2  }
0xb4: {  	[dreg:$0x5] =	wrdreg s5  }
0xb5: {  	[dreg:$0x6] =	wrdreg $0x9  }
0xb6: {  	_ =	task.clear_ibuf [dreg:s10], $0x7FFFF;
	_ =	strace $0x90000046  }
0xb7: {  	s29 =	simm.s32 $0x9;
	_ =	strace $0x80000048  }
0xb8: {  	_ =	swait.ge [sflag:s29], $0x1  }
0xb9: {  	[sflag:s29] =	ssyncadd.s32 $0xFFFFFFFF  }
0xba: {  	_ =	strace $0x90000048  }
0xbb: {  	_ =	sfence  }
0xbc: {  	s30 =	sld [smem:$0x0];
	_ =	sdelay $0x2  }
0xbd: {  	s31 =	sshll.u32 s1, $0xD;
	s1 =	sshrl.u32 s1, $0x2  }
0xbe: {  	s3 =	sand.u32 $0x4000, s31;
	s1 =	sadd.s32 s1, s30  }
0xbf: {  	s0 =	sor.u32 s3, s0;
	s1 =	sshll.u32 s1, $0x11  }
0xc0: {  	s0 =	sor.u32 s1, s0  }
0xc1: {  	s0 =	sadd.s32 $0x8F2B, s0  }
0xc2: {  	[sflag:s0] =	ssyncadd.remote.s32 $0x1  }
0xc3: {  	_ =	sfence.sel $0xFFFF  }
0xc4: {  	[dreg:$0x0] =	wrdreg $0xFFFFFFFF;
	(pc) =	sbr.abs _section_cstart, $3  }
0xc5: {  	[dreg:$0x1] =	wrdreg $0xFFFFFFFF  }
0xc6: {  	_ =	task.clear_ibuf [dreg:s10], $0x2FFFF;
	_ =	strace $0x9FFFFFFF  }
0xc7: {  	(tm) =	ssettm $0x7FFFFFFF  }
tec
execute0_lowered:
.L_overlay_start_1:
0x0: {  	(tag) =	ssettag $0x1  }
0x1: {  	s3 =	rddreg [dreg:$0x0]  }
0x2: {  	s4 =	rddreg [dreg:$0x1]  }
0x3: {  	s5 =	rddreg [dreg:$0x2]  }
0x4: {  	s6 =	rddreg [dreg:$0x3]  }
0x5: {  	s0 =	rddreg [dreg:$0x4];
	s2 =	simm.s32 $0x0;
	s7 =	srdreg.scid  }
0x6: {  	s1 =	stileid.u32;
	[smem:$0x7FF] =	sst s2;
	s7 =	sand.u32 $0x1, s7  }
0x7: {  	s9 =	sshll.u32 s1, $0x1;
	s11 =	sshrl.u32 s1, $0x1;
	s4 =	sadd.s32 $0x10, s4  }
0x8: {  	_ =	strace $0x80000047;
	s8 =	ssub.s32 $0x2, s7;
	s9 =	sand.u32 $0x2, s9  }
0x9: {  	s29 =	sshll.u32 s11, $0xD;
	s31 =	sshll.u32 s11, $0x4;
	s11 =	sshll.u32 s11, $0xA  }
0xa: {  	v0 =	vimm.f32 $0.0e+00;
	vm0 =	vcmask $0x300;
	vm1 =	vcmask $0x704;
	s10 =	sshrl.u32 s8, $0x1;
	s7 =	sor.u32 s7, s9;
	s3 =	sadd.s32 s3, s29  }
0xb: {  	vm10 =	vcmask $0xB08;
	vm11 =	vcmask $0xF0C;
	vm12 =	vcmask $0x1310;
	s5 =	sadd.s32 s5, s31;
	s6 =	sadd.s32 s6, s11;
	s9 =	simm.s32 $0x4800  }
0xc: {  	vm13 =	vcmask $0x1714;
	vm14 =	vcmask $0x1B18;
	v2 =	vsel vm1, $0x3F800000, v0;
	s11 =	simm.s32 $0x4000;
	s8 =	ssub.s32 s8, s10;
	s30 =	sshll.u32 s7, $0x1  }
0xd: {  	vm15 =	vcmask $0x1F1C;
	v3 =	vimm.s32 $0x0;
	v37 =	vsel vm12, $0x3F800000, v0;
	[tilespmem:$0x1FFD0] =	vst v2;
	s12 =	sshll.u32 s7, $0xB;
	s7 =	sshll.u32 s7, $0x8;
	s10 =	simm.s32 $0x4880  }
0xe: {  	v1 =	vsel vm0, $0x3F800000, v0;
	v39 =	vsel vm10, $0x3F800000, v0;
	v36 =	vsel vm11, $0x3F800000, v0;
	[tilespmem:$0x1FFE0] =	vst v37;
	s3 =	sadd.s32 s12, s3;
	s5 =	sadd.s32 s30, s5;
	s6 =	sadd.s32 s7, s6  }
0xf: {  	v9 =	vsel vm13, $0x3F800000, v0;
	v10 =	vsel vm14, $0x3F800000, v0;
	v11 =	vsel vm15, $0x3F800000, v0;
	[tilespmem:$0x1FFF0] =	vst v1;
	s7 =	smax.u32 s8, $0x1;
	s8 =	simm.s32 $0x1;
	s12 =	simm.s32 $0x0  }
.LBB2_1:
0x10: {  	[tilespmem:s2], [sflag:$0x1] =	stream.linear.gather [hbm4b:s3+s2], $0x4000, $0x38;
	[tilespmem:$0x4900] =	vst v63  }
0x11: {  	_ =	swait.ge [sflag:s8], $0x4000  }
0x12: {  	[sflag:s8] =	ssyncset.done $0x0  }
0x13: {  	[sflag:s8] =	ssyncadd.s32 $0xFFFFC000  }
0x14: {  	[tilespmem:s9], [sflag:$0x1] =	stream.linear.gather [hbm4b:s4+s2], $0x10, $0x38;
	[tilespmem:$0x4900] =	vst v63  }
0x15: {  	_ =	swait.ge [sflag:s8], $0x10  }
0x16: {  	[sflag:s8] =	ssyncset.done $0x0  }
0x17: {  	[sflag:s8] =	ssyncadd.s32 $0xFFFFFFF0  }
0x18: {  	[tilespmem:s10], [sflag:$0x1] =	stream.linear.gather [hbm4b:s5+s2], $0x10, $0x38;
	[tilespmem:$0x4900] =	vst v63  }
0x19: {  	_ =	swait.ge [sflag:s8], $0x10  }
0x1a: {  	[sflag:s8] =	ssyncset.done $0x0  }
0x1b: {  	[sflag:s8] =	ssyncadd.s32 $0xFFFFFFF0  }
0x1c: {  	v17 =	vld [tilespmem:$0x4800];
	_ =	sdelay $0x4  }
0x1d: {  	v4 =	vbroadcast v17, $0x0;
	_ =	sdelay $0x1  }
0x1e: {  	[tilespmem:$0x1FF50] =	vst v4;
	v4 =	vbroadcast v17, $0x1;
	_ =	sdelay $0x1  }
0x1f: {  	[tilespmem:$0x1FF60] =	vst v4;
	v4 =	vbroadcast v17, $0x2;
	_ =	sdelay $0x1  }
0x20: {  	[tilespmem:$0x1FF70] =	vst v4;
	v4 =	vbroadcast v17, $0x3;
	_ =	sdelay $0x1  }
0x21: {  	[tilespmem:$0x1FF80] =	vst v4;
	v4 =	vbroadcast v17, $0x4;
	_ =	sdelay $0x1  }
0x22: {  	[tilespmem:$0x1FF90] =	vst v4;
	v4 =	vbroadcast v17, $0x5;
	_ =	sdelay $0x1  }
0x23: {  	[tilespmem:$0x1FFA0] =	vst v4;
	v4 =	vbroadcast v17, $0x6;
	_ =	sdelay $0x1  }
0x24: {  	[tilespmem:$0x1FFB0] =	vst v4;
	v4 =	vbroadcast v17, $0x7;
	_ =	sdelay $0x1  }
0x25: {  	s13 =	simm.s32 $0x4040;
	s14 =	simm.s32 $0x200;
	s15 =	simm.s32 $0x0;
	[tilespmem:$0x1FFC0] =	vst v4  }
.LBB2_2:
0x26: {  	v18 =	vld [tilespmem:s14+$0xFFFFFE00]  }
0x27: {  	v19 =	vld [tilespmem:s14+$0xFFFFFE10]  }
0x28: {  	v21 =	vld [tilespmem:s14+$0xFFFFFE20]  }
0x29: {  	v22 =	vld [tilespmem:s14+$0xFFFFFE30]  }
0x2a: {  	v4 =	vld [tilespmem:$0x1FF50];
	_ =	sdelay $0x1  }
0x2b: {  	v50 =	vld [tilespmem:s14+$0xFFFFFE80]  }
0x2c: {  	v20 =	vmov s15;
	v26 =	vld [tilespmem:s14+$0xFFFFFE90];
	vm0 =	vlt.f32 v18, $0.0e+00;
	vm1 =	vgt.f32 v18, $0.0e+00  }
0x2d: {  	v29 =	vld [tilespmem:s14+$0xFFFFFEA0];
	vm7 =	vlt.f32 v19, $0.0e+00;
	vm2 =	vgt.f32 v19, $0.0e+00;
	vm8 =	vlt.f32 v21, $0.0e+00  }
0x2e: {  	v30 =	vld [tilespmem:s14+$0xFFFFFEB0];
	vm3 =	vgt.f32 v21, $0.0e+00;
	vm9 =	vlt.f32 v22, $0.0e+00;
	v49 =	vmul.f32 v18, v4  }
0x2f: {  	v60 =	vld [tilespmem:s14+$0xFFFFFF10];
	vm4 =	vgt.f32 v22, $0.0e+00;
	v19 =	vmul.f32 v19, v4;
	v21 =	vmul.f32 v21, v4  }
0x30: {  	v6 =	vld [tilespmem:s14+$0xFFFFFF20];
	v22 =	vmul.f32 v22, v4;
	vm11 =	vlt.f32 v50, $0.0e+00;
	vm12 =	vgt.f32 v50, $0.0e+00  }
0x31: {  	vm13 =	vlt.f32 v26, $0.0e+00;
	vm14 =	vgt.f32 v26, $0.0e+00;
	vm1 =	vmor vm1, vm0  }
0x32: {  	vm2 =	vmor vm2, vm7;
	vm3 =	vmor vm3, vm8;
	vm0 =	vmor vm4, vm9  }
0x33: {  	vm15 =	vmor vm14, vm13;
	vm7 =	vlt.f32 v29, $0.0e+00;
	vm8 =	vgt.f32 v29, $0.0e+00  }
0x34: {  	vm9 =	vlt.f32 v30, $0.0e+00;
	vm13 =	vlt.f32 v60, $0.0e+00;
	vm14 =	vgt.f32 v60, $0.0e+00  }
0x35: {  	v56 =	vld [tilespmem:s14+$0xFFFFFF00];
	vm4 =	vgt.f32 v6, $0.0e+00;
	v23 =	vmpcnt.ones.xlane vm1;
	v24 =	vmpcnt.ones.xlane vm2  }
0x36: {  	v25 =	vmpcnt.ones.xlane vm3;
	v48 =	vmpcnt.ones.xlane vm0;
	v51 =	vsel vm1, $0x3F800000, v0  }
0x37: {  	v27 =	vsel vm2, $0x3F800000, v0;
	v19 =	vadd.f32 $0.0e+00, v19;
	v28 =	vsel vm3, $0x3F800000, v0  }
0x38: {  	v38 =	vld [tilespmem:s14+$0xFFFFFFB0];
	v21 =	vadd.f32 $0.0e+00, v21;
	v22 =	vadd.f32 $0.0e+00, v22;
	vm1 =	vmor vm12, vm11  }
0x39: {  	v33 =	vmpcnt.ones.xlane vm15;
	vm2 =	vmor vm8, vm7;
	v55 =	vsel vm15, $0x3F800000, v0  }
0x3a: {  	v61 =	vsel vm0, $0x3F800000, v0;
	vm11 =	vlt.f32 v56, $0.0e+00;
	vm12 =	vgt.f32 v56, $0.0e+00  }
0x3b: {  	vm15 =	vlt.f32 v6, $0.0e+00;
	v31 =	vsel vm1, $0x3F800000, v0;
	v32 =	vmpcnt.ones.xlane vm1  }
0x3c: {  	v52 =	vmpcnt.ones.xlane vm2;
	v59 =	vsel vm2, $0x3F800000, v0;
	vm0 =	vmor vm12, vm11  }
0x3d: {  	v20 =	vld.idx.msk [tilespmem:v20+s10+$0x0], $0xffff;
	vm1 =	vmor vm14, vm13;
	vm14 =	vlt.f32 v38, $0.0e+00;
	v23 =	vadd.s32 v23, v24  }
0x3e: {  	v24 =	vadd.f32 v31, v51;
	v28 =	vadd.f32 v59, v28;
	v7 =	vsel vm0, $0x3F800000, v0  }
0x3f: {  	v13 =	vsel vm1, $0x3F800000, v0;
	v14 =	vmpcnt.ones.xlane vm0;
	v23 =	vadd.s32 v25, v23  }
0x40: {  	v15 =	vmpcnt.ones.xlane vm1;
	v53 =	vadd.s32 v32, v33;
	v32 =	vld [tilespmem:s14+$0xFFFFFF90];
	v23 =	vadd.s32 v48, v23  }
0x41: {  	vm0 =	vmor vm4, vm15;
	vm15 =	vgt.f32 v38, $0.0e+00;
	v23 =	vcvt.s32.f32 v23  }
0x42: {  	v46 =	vld [tilespmem:s14+$0x20];
	vm10 =	vne.s32 v20, $0x0;
	v20 =	vadd.f32 $0.0e+00, v49;
	v33 =	vadd.f32 v55, v27  }
0x43: {  	v34 =	vsel vm0, $0x3F800000, v0;
	v35 =	vmpcnt.ones.xlane vm0;
	v23 =	vmul.f32 v1, v23;
	v1 =	vld [tilespmem:$0x1FF60]  }
0x44: {  	v3 =	vsel vm10, $0x3F800000, v3;
	vm10 =	vgt.f32 v30, $0.0e+00;
	v27 =	vadd.f32 v7, v24  }
0x45: {  	vm3 =	vmor vm10, vm9;
	v24 =	vmovc v36;
	v36 =	vld [tilespmem:s14+$0xFFFFFFA0];
	vm10 =	vlt.f32 v32, $0.0e+00;
	vm11 =	vgt.f32 v32, $0.0e+00  }
0x46: {  	v54 =	vmpcnt.ones.xlane vm3;
	v62 =	vsel vm3, $0x3F800000, v0;
	vm1 =	vmor vm11, vm10  }
0x47: {  	v23 =	vadd.f32 $0.0e+00, v23;
	vm11 =	vlt.f32 v46, $0.0e+00;
	v45 =	vmpcnt.ones.xlane vm1  }
0x48: {  	v43 =	vsel vm1, $0x3F800000, v0;
	v25 =	vmul.f32 v50, v1;
	v26 =	vmul.f32 v26, v1  }
0x49: {  	v57 =	vmul.f32 v29, v1;
	v63 =	vmul.f32 v30, v1;
	v1 =	vld [tilespmem:$0x1FF70];
	v29 =	vadd.s32 v14, v15  }
0x4a: {  	vm12 =	vlt.f32 v36, $0.0e+00;
	vm13 =	vgt.f32 v36, $0.0e+00;
	v30 =	vld [tilespmem:s14+$0xFFFFFF30];
	v17 =	vadd.s32 v35, v29  }
0x4b: {  	v25 =	vadd.f32 v25, v20;
	v20 =	vadd.s32 v52, v53;
	v58 =	vadd.f32 v26, v19  }
0x4c: {  	v41 =	vld [tilespmem:s14+$0x0];
	[tilespmem:$0x1FF40] =	vst v3;
	v3 =	vadd.f32 v57, v21;
	v26 =	vadd.f32 v13, v33;
	v20 =	vadd.s32 v54, v20  }
0x4d: {  	v50 =	vld [tilespmem:s14+$0x30];
	v21 =	vadd.f32 v62, v61;
	v22 =	vadd.f32 v63, v22;
	v20 =	vcvt.s32.f32 v20  }
0x4e: {  	v33 =	vld [tilespmem:s14+$0xFFFFFF80];
	v26 =	vadd.f32 v43, v26;
	v31 =	vmul.f32 v56, v1;
	v12 =	vmul.f32 v60, v1  }
0x4f: {  	vm5 =	vlt.f32 v30, $0.0e+00;
	vm6 =	vgt.f32 v30, $0.0e+00;
	v37 =	vmul.f32 v6, v1  }
0x50: {  	v62 =	vld [tilespmem:s14+$0xB0];
	v30 =	vmul.f32 v30, v1;
	v20 =	vmul.f32 v2, v20;
	vm7 =	vmor vm6, vm5  }
0x51: {  	vm5 =	vmor vm15, vm14;
	vm6 =	vlt.f32 v41, $0.0e+00;
	v25 =	vadd.f32 v31, v25  }
0x52: {  	v44 =	vld [tilespmem:s14+$0x10];
	vm14 =	vgt.f32 v50, $0.0e+00;
	v2 =	vadd.f32 v12, v58;
	v31 =	vadd.f32 v34, v28  }
0x53: {  	v16 =	vmpcnt.ones.xlane vm7;
	v35 =	vsel vm7, $0x3F800000, v0;
	vm8 =	vlt.f32 v33, $0.0e+00  }
0x54: {  	vm9 =	vgt.f32 v33, $0.0e+00;
	v49 =	vsel vm5, $0x3F800000, v0;
	v51 =	vmpcnt.ones.xlane vm5  }
0x55: {  	v52 =	vld [tilespmem:s14+$0x80];
	vm7 =	vgt.f32 v41, $0.0e+00;
	vm4 =	vlt.f32 v62, $0.0e+00;
	vm5 =	vgt.f32 v62, $0.0e+00  }
0x56: {  	v22 =	vadd.f32 v30, v22;
	v20 =	vadd.f32 v20, v23;
	vm0 =	vmor vm9, vm8  }
0x57: {  	v8 =	vld [tilespmem:s14+$0x100];
	vm8 =	vlt.f32 v44, $0.0e+00;
	vm9 =	vgt.f32 v44, $0.0e+00;
	v21 =	vadd.f32 v35, v21  }
0x58: {  	v55 =	vld [tilespmem:s14+$0x90];
	v23 =	vadd.s32 v16, v17;
	v40 =	vsel vm0, $0x3F800000, v0;
	v42 =	vmpcnt.ones.xlane vm0  }
0x59: {  	v59 =	vld [tilespmem:s14+$0xA0];
	[tilespmem:$0x1FEE0] =	vst v3;
	vm0 =	vmor vm13, vm12;
	vm10 =	vmor vm9, vm8;
	vm12 =	vgt.f32 v46, $0.0e+00  }
0x5a: {  	v1 =	vld [tilespmem:$0x1FEE0];
	vm13 =	vlt.f32 v50, $0.0e+00;
	vm8 =	vlt.f32 v52, $0.0e+00;
	vm9 =	vgt.f32 v52, $0.0e+00  }
0x5b: {  	v18 =	vcvt.s32.f32 v23;
	v47 =	vsel vm0, $0x3F800000, v0;
	v48 =	vmpcnt.ones.xlane vm0  }
0x5c: {  	vm0 =	vmor vm7, vm6;
	v56 =	vsel vm10, $0x3F800000, v0;
	vm1 =	vmor vm12, vm11  }
0x5d: {  	v57 =	vmpcnt.ones.xlane vm10;
	vm15 =	vmor vm14, vm13;
	vm10 =	vlt.f32 v55, $0.0e+00  }
0x5e: {  	vm11 =	vgt.f32 v55, $0.0e+00;
	vm12 =	vmor vm9, vm8;
	vm14 =	vlt.f32 v59, $0.0e+00  }
0x5f: {  	vm6 =	vmor vm5, vm4;
	vm7 =	vlt.f32 v8, $0.0e+00;
	v37 =	vadd.f32 v37, v1  }
0x60: {  	v5 =	vld [tilespmem:s14+$0x120];
	vm8 =	vgt.f32 v8, $0.0e+00;
	v27 =	vadd.f32 v40, v27;
	v21 =	vadd.f32 v49, v21  }
0x61: {  	v53 =	vsel vm0, $0x3F800000, v0;
	v54 =	vmpcnt.ones.xlane vm0;
	v58 =	vsel vm1, $0x3F800000, v0  }
0x62: {  	v60 =	vmpcnt.ones.xlane vm1;
	v61 =	vsel vm15, $0x3F800000, v0;
	v63 =	vmpcnt.ones.xlane vm15  }
0x63: {  	v7 =	vld [tilespmem:s14+$0x130];
	v29 =	vmovc v11;
	[tilespmem:$0x1FEF0] =	vst v2;
	vm13 =	vmor vm11, vm10;
	v2 =	vsel vm12, $0x3F800000, v0;
	v11 =	vmpcnt.ones.xlane vm12  }
0x64: {  	v28 =	vmovc v9;
	v9 =	vld [tilespmem:s14+$0x180];
	vm15 =	vgt.f32 v59, $0.0e+00;
	v12 =	vsel vm6, $0x3F800000, v0;
	vm1 =	vmor vm8, vm7  }
0x65: {  	vm12 =	vlt.f32 v5, $0.0e+00;
	v42 =	vadd.s32 v42, v45;
	v31 =	vadd.f32 v47, v31  }
0x66: {  	v26 =	vadd.f32 v56, v26;
	v3 =	vsel vm13, $0x3F800000, v0;
	v4 =	vmpcnt.ones.xlane vm13  }
0x67: {  	v15 =	vld [tilespmem:s14+$0x1A0];
	vm0 =	vmor vm15, vm14;
	v23 =	vmovc v10;
	v10 =	vmpcnt.ones.xlane vm6;
	v34 =	vsel vm1, $0x3F800000, v0  }
0x68: {  	v13 =	vmpcnt.ones.xlane vm1;
	vm13 =	vgt.f32 v5, $0.0e+00;
	vm14 =	vlt.f32 v7, $0.0e+00  }
0x69: {  	v1 =	vld [tilespmem:$0x1FF80];
	vm15 =	vgt.f32 v7, $0.0e+00;
	vm8 =	vlt.f32 v9, $0.0e+00;
	vm5 =	vgt.f32 v9, $0.0e+00  }
0x6a: {  	v16 =	vld [tilespmem:s14+$0x1B0];
	v18 =	vmul.f32 v39, v18;
	v30 =	vadd.s32 v48, v42;
	v27 =	vadd.f32 v53, v27  }
0x6b: {  	v21 =	vadd.f32 v61, v21;
	v6 =	vsel vm0, $0x3F800000, v0;
	vm1 =	vmor vm13, vm12  }
0x6c: {  	vm12 =	vlt.f32 v15, $0.0e+00;
	vm13 =	vgt.f32 v15, $0.0e+00;
	v30 =	vadd.s32 v51, v30  }
0x6d: {  	v43 =	vadd.s32 v54, v57;
	v31 =	vadd.f32 v58, v31;
	[tilespmem:$0x1FF10] =	vst v6;
	v6 =	vmpcnt.ones.xlane vm0  }
0x6e: {  	v48 =	vld [tilespmem:$0x1FEF0];
	vm0 =	vmor vm15, vm14;
	v33 =	vmul.f32 v33, v1;
	v32 =	vmul.f32 v32, v1  }
0x6f: {  	vm14 =	vlt.f32 v16, $0.0e+00;
	v45 =	vmul.f32 v36, v1;
	v40 =	vmul.f32 v38, v1;
	v1 =	vld [tilespmem:$0x1FF90]  }
0x70: {  	vm6 =	vgt.f32 v16, $0.0e+00;
	vm4 =	vmor vm13, vm12;
	v20 =	vadd.f32 v18, v20  }
0x71: {  	[tilespmem:$0x1FF00] =	vst v3;
	v3 =	vld [tilespmem:s14+$0x110];
	v30 =	vcvt.s32.f32 v30;
	v47 =	vadd.s32 v60, v43;
	v2 =	vadd.f32 v2, v27  }
0x72: {  	v57 =	vld [tilespmem:$0x1FFC0];
	v4 =	vadd.s32 v11, v4;
	v56 =	vmpcnt.ones.xlane vm1;
	vm15 =	vmor vm6, vm14;
	v36 =	vmovc v24  }
0x73: {  	v30 =	vmul.f32 v36, v30;
	v25 =	vadd.f32 v33, v25;
	v51 =	vadd.f32 v32, v48  }
0x74: {  	v33 =	vadd.f32 v45, v37;
	v45 =	vmul.f32 v41, v1;
	v48 =	vmul.f32 v44, v1  }
0x75: {  	v4 =	vadd.s32 v6, v4;
	v49 =	vmul.f32 v46, v1;
	v50 =	vmul.f32 v50, v1;
	v1 =	vld [tilespmem:$0x1FFA0]  }
0x76: {  	v4 =	vadd.s32 v10, v4;
	vm9 =	vlt.f32 v3, $0.0e+00;
	vm10 =	vgt.f32 v3, $0.0e+00  }
0x77: {  	[tilespmem:$0x1FF20] =	vst v12;
	v12 =	vld [tilespmem:s14+$0x190];
	v20 =	vadd.f32 v30, v20;
	v30 =	vadd.s32 v63, v47;
	v9 =	vmul.f32 v9, v57  }
0x78: {  	v42 =	vld [tilespmem:$0x1FFE0];
	v4 =	vcvt.s32.f32 v4;
	vm11 =	vmor vm10, vm9;
	vm9 =	vmor vm5, vm8  }
0x79: {  	v22 =	vadd.f32 v40, v22;
	v30 =	vcvt.s32.f32 v30;
	v17 =	vmpcnt.ones.xlane vm9  }
0x7a: {  	v24 =	vadd.f32 v48, v51;
	v51 =	vmul.f32 v52, v1;
	v52 =	vmul.f32 v55, v1  }
0x7b: {  	v14 =	vsel vm11, $0x3F800000, v0;
	v53 =	vmul.f32 v59, v1;
	v54 =	vmul.f32 v62, v1;
	v1 =	vld [tilespmem:$0x1FFB0]  }
0x7c: {  	vm10 =	vlt.f32 v12, $0.0e+00;
	v4 =	vmul.f32 v28, v4;
	[tilespmem:$0x1FF30] =	vst v14;
	v14 =	vmpcnt.ones.xlane vm11  }
0x7d: {  	vm11 =	vgt.f32 v12, $0.0e+00;
	v30 =	vmul.f32 v42, v30;
	v12 =	vmul.f32 v12, v57  }
0x7e: {  	vm3 =	vmor vm11, vm10;
	v25 =	vadd.f32 v45, v25;
	v10 =	vadd.s32 v13, v14  }
0x7f: {  	v33 =	vadd.f32 v49, v33;
	v22 =	vadd.f32 v50, v22;
	v10 =	vadd.s32 v56, v10  }
0x80: {  	v25 =	vadd.f32 v51, v25;
	v24 =	vadd.f32 v52, v24;
	v8 =	vmul.f32 v8, v1  }
0x81: {  	v11 =	vadd.f32 v53, v33;
	v3 =	vmul.f32 v3, v1;
	v5 =	vmul.f32 v5, v1  }
0x82: {  	v55 =	vadd.f32 v54, v22;
	v7 =	vmul.f32 v7, v1;
	v8 =	vadd.f32 v8, v25  }
0x83: {  	v3 =	vadd.f32 v3, v24;
	v5 =	vadd.f32 v5, v11;
	v11 =	vmpcnt.ones.xlane vm0  }
0x84: {  	v6 =	vadd.f32 v7, v55;
	v8 =	vadd.f32 v9, v8;
	v9 =	vmul.f32 v15, v57  }
0x85: {  	v58 =	vadd.s32 v11, v10;
	v10 =	vmpcnt.ones.xlane vm3;
	v3 =	vadd.f32 v12, v3  }
0x86: {  	v7 =	vcvt.s32.f32 v58;
	v5 =	vadd.f32 v9, v5;
	v8 =	vmul.f32 $1.442695020e+00, v8  }
0x87: {  	v1 =	vadd.s32 v17, v10;
	v10 =	vmpcnt.ones.xlane vm4;
	v3 =	vmul.f32 $1.442695020e+00, v3  }
0x88: {  	v60 =	vld [tilespmem:$0x1FF20];
	v20 =	vadd.f32 v30, v20;
	(erf) = vpow2.f32 v8;
	v5 =	vmul.f32 $1.442695020e+00, v5  }
0x89: {  	v59 =	vld [tilespmem:$0x1FF10];
	v1 =	vadd.s32 v10, v1;
	v10 =	vmpcnt.ones.xlane vm15;
	(erf) = vpow2.f32 v3  }
0x8a: {  	v2 =	vadd.f32 v34, v2;
	v9 =	vmul.f32 v16, v57;
	(erf) = vpow2.f32 v5;
	v5 =	vld [tilespmem:$0x1FF00]  }
0x8b: {  	v4 =	vadd.f32 v4, v20;
	v7 =	vmul.f32 v23, v7;
	v1 =	vadd.s32 v10, v1  }
0x8c: {  	v19 =	vsel vm9, $0x3F800000, v0;
	v6 =	vadd.f32 v9, v6;
	v8 =	vld [tilespmem:$0x1FF30];
	v1 =	vcvt.s32.f32 v1  }
0x8d: {  	v2 =	vadd.f32 v19, v2;
	v4 =	vadd.f32 v7, v4  }
0x8e: {  	v7 =	vadd.f32 v60, v21;
	v3 =	vmul.f32 $1.442695020e+00, v6;
	v1 =	vmul.f32 v29, v1  }
0x8f: {  	v6 =	vadd.f32 v59, v31;
	v5 =	vadd.f32 v5, v26  }
0x90: {  	(erf) = vpow2.f32 v3;
	v3 =	vsel vm1, $0x3F800000, v0;
	v1 =	vadd.f32 v1, v4  }
0x91: {  	v61 =	vld [tilespmem:$0x1FF40];
	v3 =	vadd.f32 v3, v6;
	v5 =	vadd.f32 v8, v5  }
0x92: {  	v4 =	vsel vm0, $0x3F800000, v0;
	v8 =	vsel vm3, $0x3F800000, v0;
	v1 =	vadd.f32 v1, v2  }
0x93: {  	v2 =	vadd.f32 v4, v7;
	v4 =	vadd.f32 v8, v5;
	v5 =	vsel vm4, $0x3F800000, v0  }
0x94: {  	v3 =	vadd.f32 v5, v3  }
0x95: {  	v5 =	vsel vm15, $0x3F800000, v0  }
0x96: {  	[tilespmem:s13+$0x0] =	vst v0;
	v1 =	vmul.f32 v61, v1;
	v3 =	vmul.f32 v61, v3  }
0x97: {  	[tilespmem:s13+$0x10] =	vst v0;
	v62 =	vpop (erf);
	v2 =	vadd.f32 v5, v2;
	v4 =	vmul.f32 v61, v4  }
0x98: {  	p0 =	sne.s32 s15, $0xF;
	[tilespmem:s13+$0x20] =	vst v0;
	v1 =	vmul.f32 v1, v62;
	v5 =	vpop (erf)  }
.Ltmp0:
0x99: {  	[tilespmem:s13+$0x30] =	vst v0;
	v2 =	vmul.f32 v61, v2;
	v63 =	vpop (erf);
	v4 =	vmul.f32 v5, v4;
	(pc) =	sbr.rel @p0 .LBB2_2-.Ltmp0, $4  }
0x9a: {  	[tilespmem:s13+$0xFFFFFFC0] =	vst v1;
	v1 =	vmul.f32 v63, v3;
	v3 =	vpop (erf)  }
0x9b: {  	[tilespmem:s13+$0xFFFFFFD0] =	vst v4;
	v2 =	vmul.f32 v3, v2  }
0x9c: {  	[tilespmem:s13+$0xFFFFFFE0] =	vst v1;
	v1 =	vld [tilespmem:$0x1FFF0]  }
0x9d: {  	s15 =	sadd.s32 $0x1, s15;
	s14 =	sadd.s32 $0x400, s14;
	v11 =	vmovc v29;
	v9 =	vmov v28;
	v10 =	vmov v23;
	v3 =	vimm.s32 $0x0;
	[tilespmem:s13+$0xFFFFFFF0] =	vst v2;
	v2 =	vld [tilespmem:$0x1FFD0];
	s13 =	sadd.s32 $0x80, s13  }
0x9e: {  	s12 =	sadd.s32 $0x1, s12  }
0x9f: {  	p0 =	sne.s32 s12, s7  }
.Ltmp1:
0xa0: {  	_ = 	snop;
	(pc) =	sbr.rel @p0 .LBB2_1-.Ltmp1, $4  }
0xa1: {  	[hbm4b:s6+s2] =	stream.linear.scatter [tilespmem:s11], [sflag:$0x1], $0x800, $0x38;
	[tilespmem:$0x4900] =	vst v63  }
0xa2: {  	_ =	swait.ge [sflag:s8], $0x800  }
0xa3: {  	[sflag:s8] =	ssyncset.done $0x0  }
0xa4: {  	[sflag:s8] =	ssyncadd.s32 $0xFFFFF800  }
0xa5: {  	_ =	sfence.sel $0x180000  }
0xa6: {  	[bflag:$0x0] =	sbarrier.arrive $0xFFFF  }
0xa7: {  	p0 =	sne.s32 s1, $0x0;
	_ =	strace $0x90000047  }
0xa8: {  	s0 =	sadd.s32 @!p0 $0x100000, s0;
	[bflag:$0x2] =	sbarrier.arrive $0xFFFF  }
0xa9: {  	[sflag:s0] =	ssyncadd.tile.s32 @!p0 $0x1;
	_ =	shalt  }
.Lfunc_end2:
_tile_overlayer_lowered:
.L_overlay_start_2:
0xaa: {  	(tag) =	ssettag $0x2  }
0xab: {  	s0 =	rddreg [dreg:$0x0];
	s2 =	stileid.u32  }
0xac: {  	s1 =	rddreg [dreg:$0x1];
	p0 =	sne.s32 s2, $0x0  }
0xad: {  	s3 =	rddreg [dreg:$0x2];
	[bflag:$0x3] =	sbarrier.arrive $0xFFFF;
	s2 =	simm.s32 @!p0 $0x1C01  }
0xae: {  	[timem:s3], [sflag:s2] =	dma.local @!p0 [hbm:s0], s1  }
0xaf: {  	s0 =	simm.s32 @!p0 $0x1  }
0xb0: {  	_ =	swait.ge @!p0 [sflag:s0], s1  }
0xb1: {  	s1 =	ssub.s32 @!p0 $0x0, s1;
	[sflag:s0] =	ssyncset.done @!p0 $0x0  }
0xb2: {  	[sflag:s0] =	ssyncadd.s32 @!p0 s1  }
0xb3: {  	[bflag:$0x3] =	sbarrier.arrive $0xFFFF  }
0xb4: {  	_ =	shalt  }

</sc_bundles>
